<compile_context>
chip_gen: v7x
topology: tpu7x:2x2x1
jax: 0.10.2.dev20260603
libtpu: 0.0.44.dev20260713+nightly
codegen_flags: <defaults>
</compile_context>

<pallas_src>
import functools

import jax
import jax.numpy as jnp
import numpy as np
from jax import lax
from jax.experimental import pallas as pl
from jax.experimental.pallas import tpu as pltpu
from jax.experimental.pallas import tpu_sc as plsc

N_NODES = 10000
N_EDGES = 320000
D = 128
H = 8
HD = 16
HP = 16

NC = 2
NS = 16
NW = NC * NS
EPW = N_EDGES // NW
EPC = N_EDGES // NC
CH = 80
NCHUNK = EPW // CH
NPC = 5120
NACC = NPC + 8
TRASH = NPC
RPT = NPC // NS
EPT = N_EDGES // NS
NCH2 = EPT // CH

@functools.lru_cache(maxsize=None)
def _sc_mesh():
    return plsc.VectorSubcoreMesh(core_axis_name="c", subcore_axis_name="s")


def _qkv_body(x_ref, w_ref, b_ref, q_ref, k_ref, v_ref):
    x = x_ref[...]
    r = lax.dot_general(x, w_ref[...], (((1,), (1,)), ((), ())),
                        preferred_element_type=jnp.float32)
    r = r + b_ref[...]
    q_ref[...] = r[:, 0:D]
    k_ref[...] = r[:, D:2 * D]
    v_ref[...] = r[:, 2 * D:3 * D]


def _qkv_proj(x, w_qkv, b_qkv):
    blk = 1000
    grid = N_NODES // blk
    return pl.pallas_call(
        _qkv_body,
        grid=(grid,),
        in_specs=[
            pl.BlockSpec((blk, D), lambda i: (i, 0)),
            pl.BlockSpec((3 * D, D), lambda i: (0, 0)),
            pl.BlockSpec((1, 3 * D), lambda i: (0, 0)),
        ],
        out_specs=[pl.BlockSpec((blk, D), lambda i: (i, 0))] * 3,
        out_shape=[jax.ShapeDtypeStruct((N_NODES, D), jnp.float32)] * 3,
    )(x, w_qkv, b_qkv.reshape(1, 3 * D))


def _gather_body(q_hbm, k_hbm, v_hbm, xi_hbm, yi_hbm,
                 qg_hbm, kg_hbm, vg_hbm, xiv, yiv, qbuf, kbuf, vbuf,
                 semi, semg, semw):
    cid = lax.axis_index("c")
    sid = lax.axis_index("s")
    wid = cid * NS + sid
    e0 = wid * EPW

    def fire_idx(c, s):
        base = e0 + c * CH
        pltpu.async_copy(xi_hbm.at[pl.ds(base, CH)], xiv[s], semi[s])
        pltpu.async_copy(yi_hbm.at[pl.ds(base, CH)], yiv[s], semi[s])

    def wait_idx(s):
        pltpu.make_async_copy(xi_hbm.at[pl.ds(0, CH)], xiv[s], semi[s]).wait()
        pltpu.make_async_copy(yi_hbm.at[pl.ds(0, CH)], yiv[s], semi[s]).wait()

    def wait_wb(s):
        pltpu.make_async_copy(qbuf[s], qg_hbm.at[pl.ds(0, CH)], semw[s]).wait()
        pltpu.make_async_copy(kbuf[s], kg_hbm.at[pl.ds(0, CH)], semw[s]).wait()
        pltpu.make_async_copy(vbuf[s], vg_hbm.at[pl.ds(0, CH)], semw[s]).wait()

    def run_chunk(c, s):
        base = e0 + c * CH
        g1 = pltpu.async_copy(q_hbm.at[xiv[s]], qbuf[s], semg[s])
        g2 = pltpu.async_copy(k_hbm.at[yiv[s]], kbuf[s], semg[s])
        g3 = pltpu.async_copy(v_hbm.at[yiv[s]], vbuf[s], semg[s])
        g1.wait()
        pltpu.async_copy(qbuf[s], qg_hbm.at[pl.ds(base, CH)], semw[s])
        g2.wait()
        pltpu.async_copy(kbuf[s], kg_hbm.at[pl.ds(base, CH)], semw[s])
        g3.wait()
        pltpu.async_copy(vbuf[s], vg_hbm.at[pl.ds(base, CH)], semw[s])

    fire_idx(0, 0)
    fire_idx(1, 1)

    def pair(g, carry):
        for b in range(2):
            c = 2 * g + b
            wait_idx(b)

            @pl.when(g >= 1)
            def _drain():
                wait_wb(b)

            run_chunk(c, b)

            @pl.when(c + 2 <= NCHUNK - 1)
            def _prefetch():
                fire_idx(c + 2, b)

        return carry

    lax.fori_loop(0, NCHUNK // 2, pair, 0)

    c = NCHUNK - 1
    wait_idx(0)
    wait_wb(0)
    run_chunk(c, 0)
    wait_wb(0)
    wait_wb(1)


@functools.lru_cache(maxsize=None)
def _gather():
    return pl.kernel(
        _gather_body,
        mesh=_sc_mesh(),
        out_type=[jax.ShapeDtypeStruct((N_EDGES, D), jnp.float32)] * 3,
        scratch_types=[
            [pltpu.VMEM((CH,), jnp.int32)] * 2,
            [pltpu.VMEM((CH,), jnp.int32)] * 2,
            [pltpu.VMEM((CH, D), jnp.float32)] * 2,
            [pltpu.VMEM((CH, D), jnp.float32)] * 2,
            [pltpu.VMEM((CH, D), jnp.float32)] * 2,
            [pltpu.SemaphoreType.DMA] * 2,
            [pltpu.SemaphoreType.DMA] * 2,
            [pltpu.SemaphoreType.DMA] * 2,
        ],
    )


_SCALE = 1.0 / np.sqrt(np.float32(N_NODES))


def _edge_body(qg_ref, kg_ref, vg_ref, uv_ref, ex_ref):
    qg = qg_ref[...]
    kg = kg_ref[...]
    vg = vg_ref[...]
    col = lax.broadcasted_iota(jnp.int32, (D, HP), 1)
    row = lax.broadcasted_iota(jnp.int32, (D, HP), 0)
    m = (col == row // HD).astype(jnp.float32)
    s = lax.dot_general(qg * kg, m, (((1,), (0,)), ((), ())),
                        preferred_element_type=jnp.float32)
    expl = jnp.exp(s * _SCALE)
    w128 = lax.dot_general(expl, m, (((1,), (1,)), ((), ())),
                           preferred_element_type=jnp.float32)
    uv_ref[...] = w128 * vg
    ex_ref[...] = w128


def _edge_math(qg, kg, vg):
    blk = 1000
    grid = N_EDGES // blk
    return pl.pallas_call(
        _edge_body,
        grid=(grid,),
        in_specs=[pl.BlockSpec((blk, D), lambda i: (i, 0))] * 3,
        out_specs=[pl.BlockSpec((blk, D), lambda i: (i, 0)),
                   pl.BlockSpec((blk, D), lambda i: (i, 0))],
        out_shape=[jax.ShapeDtypeStruct((N_EDGES, D), jnp.float32),
                   jax.ShapeDtypeStruct((N_EDGES, D), jnp.float32)],
    )(qg, kg, vg)


ZR = 64


def _scatter_body(uv_hbm, ex_hbm, xi_hbm, zv_hbm, ov_hbm, od_hbm,
                  xiv, xiv2, ubuf, idxb, zv, rv, sem, semi, semg, acc):
    cid = lax.axis_index("c")
    sid = lax.axis_index("s")
    r0 = sid * RPT
    lanes = lax.iota(jnp.int32, 16)
    lo = cid * NPC

    def fill_idx(base):
        for j in range(ZR // 16):
            idxb[pl.ds(j * 16, 16)] = base + j * 16 + lanes

    pltpu.sync_copy(zv_hbm, zv)

    def phase(src_hbm, out_hbm):
        def zbody(i, carry):
            fill_idx(r0 + i * ZR)
            pltpu.sync_copy(zv, acc.at[idxb])
            return carry

        lax.fori_loop(0, RPT // ZR, zbody, 0)
        plsc.subcore_barrier()

        def body(i, carry):
            base = sid * EPT + i * CH
            l1 = pltpu.async_copy(xi_hbm.at[pl.ds(base, CH)], xiv, semi)
            l2 = pltpu.async_copy(src_hbm.at[pl.ds(base, CH)], ubuf, semg)
            l1.wait()
            for j in range(CH // 16):
                v = xiv[pl.ds(j * 16, 16)]
                rel = v - lo
                ok = (rel >= 0) & (rel < NPC)
                xiv2[pl.ds(j * 16, 16)] = jnp.where(ok, rel, TRASH)
            l2.wait()
            pltpu.sync_copy(ubuf, acc.at[xiv2], add=True)
            return carry

        lax.fori_loop(0, NCH2, body, 0)
        plsc.subcore_barrier()

        def wbody(i, carry):
            fill_idx(r0 + i * ZR)
            pltpu.async_copy(acc.at[idxb], rv, sem).wait()
            pltpu.sync_copy(rv, out_hbm.at[cid, pl.ds(r0 + i * ZR, ZR)])
            return carry

        lax.fori_loop(0, RPT // ZR, wbody, 0)

    phase(uv_hbm, ov_hbm)
    phase(ex_hbm, od_hbm)


@functools.lru_cache(maxsize=None)
def _scatter():
    return pl.kernel(
        _scatter_body,
        mesh=_sc_mesh(),
        out_type=[jax.ShapeDtypeStruct((NC, NPC, D), jnp.float32),
                  jax.ShapeDtypeStruct((NC, NPC, D), jnp.float32)],
        scratch_types=[
            pltpu.VMEM((CH,), jnp.int32),
            pltpu.VMEM((CH,), jnp.int32),
            pltpu.VMEM((CH, D), jnp.float32),
            pltpu.VMEM((ZR,), jnp.int32),
            pltpu.VMEM((ZR, D), jnp.float32),
            pltpu.VMEM((ZR, D), jnp.float32),
            pltpu.SemaphoreType.DMA,
            pltpu.SemaphoreType.DMA,
            pltpu.SemaphoreType.DMA,
            pltpu.VMEM_SHARED((NACC, D), jnp.float32),
        ],
    )


def _finish_body(av_ref, ad_ref, w_ref, b_ref, o_ref):
    res = av_ref[...] / (ad_ref[...] + jnp.float32(1e-16))
    out = lax.dot_general(res, w_ref[...], (((1,), (1,)), ((), ())),
                          preferred_element_type=jnp.float32)
    o_ref[...] = out + b_ref[...]


def _finish(av, ad, w_out, b_out):
    blk = 1000
    grid = N_NODES // blk
    return pl.pallas_call(
        _finish_body,
        grid=(grid,),
        in_specs=[
            pl.BlockSpec((blk, D), lambda i: (i, 0)),
            pl.BlockSpec((blk, D), lambda i: (i, 0)),
            pl.BlockSpec((D, D), lambda i: (0, 0)),
            pl.BlockSpec((1, D), lambda i: (0, 0)),
        ],
        out_specs=pl.BlockSpec((blk, D), lambda i: (i, 0)),
        out_shape=jax.ShapeDtypeStruct((N_NODES, D), jnp.float32),
    )(av, ad, w_out, b_out.reshape(1, D))


@jax.jit
def kernel(x, edge_index, W_qkv, b_qkv, W_out, b_out):
    xi = edge_index[0].astype(jnp.int32)
    yi = edge_index[1].astype(jnp.int32)
    q, k, v = _qkv_proj(x, W_qkv, b_qkv)
    qg, kg, vg = _gather()(q, k, v, xi, yi)
    uv, expl = _edge_math(qg, kg, vg)
    zvh = jnp.zeros((ZR, D), jnp.float32)
    ov, od = _scatter()(uv, expl, xi, zvh)
    av = ov.reshape(NC * NPC, D)
    ad = od.reshape(NC * NPC, D)
    return _finish(av, ad, W_out, b_out)

# --- scband reference (transcript-rebuilt; emitter-appended) ---
"""Pipeline reference for scband-self-attention-34961033789783 (READ-ONLY COPY).

The authoritative reference and input builder live on the scoring server;
editing this copy changes nothing except your own understanding.
"""

import jax, jax.numpy as jnp
import numpy as np

N_NODES = 10000
N_EDGES = 320000
INPUT_DIM = 128
N_HEADS = 8
KEY_DIM = 16
HEAD_VALUE_DIM = 16
VALUE_DIM = 128
QKV_OUT = N_HEADS * (2 * KEY_DIM + HEAD_VALUE_DIM)  # 384


def setup_inputs(seed: int = 0) -> dict:
    key = jax.random.key(seed)
    k1, k2, k3, k4, k5, k6 = jax.random.split(key, 6)
    x = jax.random.normal(k1, (N_NODES, INPUT_DIM), dtype=jnp.float32)
    edge_index = jax.random.randint(k2, (2, N_EDGES), 0, N_NODES, dtype=jnp.int64)
    lim_qkv = 1.0 / np.sqrt(INPUT_DIM)
    W_qkv = jax.random.uniform(k3, (QKV_OUT, INPUT_DIM), dtype=jnp.float32, minval=-lim_qkv, maxval=lim_qkv)
    b_qkv = jax.random.uniform(k4, (QKV_OUT,), dtype=jnp.float32, minval=-lim_qkv, maxval=lim_qkv)
    lim_out = 1.0 / np.sqrt(VALUE_DIM)
    W_out = jax.random.uniform(k5, (VALUE_DIM, VALUE_DIM), dtype=jnp.float32, minval=-lim_out, maxval=lim_out)
    b_out = jax.random.uniform(k6, (VALUE_DIM,), dtype=jnp.float32, minval=-lim_out, maxval=lim_out)
    return {"x": x, "edge_index": edge_index, "W_qkv": W_qkv, "b_qkv": b_qkv, "W_out": W_out, "b_out": b_out}


def reference(x, edge_index, W_qkv, b_qkv, W_out, b_out):
    total_n_nodes = x.shape[0]
    grid_x = edge_index[0]
    grid_y = edge_index[1]
    qkv = x @ W_qkv.T + b_qkv  # [N, 3*H*Kd] (key_dim == head_value_dim path)
    qkv = qkv.reshape(total_n_nodes, 3, N_HEADS, KEY_DIM)
    query = qkv[:, 0]
    key_t = qkv[:, 1]
    value = qkv[:, 2]
    query_gx = jnp.take(query, grid_x, axis=0)   # [E, H, Kd]
    key_gy = jnp.take(key_t, grid_y, axis=0)     # [E, H, Kd]
    value_gy = jnp.take(value, grid_y, axis=0)   # [E, H, hv]
    logits = jnp.sum(query_gx * key_gy, axis=-1, keepdims=True)  # [E, H, 1]
    # single graph in batch: indicator.n_nodes[batch2] == total_n_nodes for every edge
    logits = logits / jnp.sqrt(jnp.float32(total_n_nodes))
    # pyg_softmax over edges grouped by dst node (grid_x)
    max_per_node = jax.ops.segment_max(logits, grid_x, num_segments=total_n_nodes)
    logits_shifted = logits - jnp.take(max_per_node, grid_x, axis=0)
    exp = jnp.exp(logits_shifted)
    denom = jax.ops.segment_sum(exp, grid_x, num_segments=total_n_nodes)
    attention_weights = exp / (jnp.take(denom, grid_x, axis=0) + 1e-16)
    weighted_values = attention_weights * value_gy  # [E, H, hv]
    weighted_values_concat = weighted_values.reshape(-1, VALUE_DIM)
    attention_results = jax.ops.segment_sum(weighted_values_concat, grid_x, num_segments=total_n_nodes)
    out = attention_results @ W_out.T + b_out
    return out

if __name__ == "__main__":
    import jax
    _d = setup_inputs()
    print(jax.jit(kernel)(*tuple(_d.values())))

</pallas_src>

<mosaic_0001>
#map = affine_map<(d0, d1) -> (0, 0)>
#map1 = affine_map<(d0, d1) -> (0)>
module attributes {stable_mosaic.version = 14 : i64} {
  func.func @_gather_body(%arg0: i32, %arg1: i32, %arg2: memref<10000x128xf32, #tpu.memory_space<hbm>>, %arg3: memref<10000x128xf32, #tpu.memory_space<hbm>>, %arg4: memref<10000x128xf32, #tpu.memory_space<hbm>>, %arg5: memref<320000xi32, #tpu.memory_space<hbm>>, %arg6: memref<320000xi32, #tpu.memory_space<hbm>>, %arg7: memref<320000x128xf32, #tpu.memory_space<hbm>>, %arg8: memref<320000x128xf32, #tpu.memory_space<hbm>>, %arg9: memref<320000x128xf32, #tpu.memory_space<hbm>>, %arg10: memref<80xi32, #tpu.memory_space<vmem>>, %arg11: memref<80xi32, #tpu.memory_space<vmem>>, %arg12: memref<80xi32, #tpu.memory_space<vmem>>, %arg13: memref<80xi32, #tpu.memory_space<vmem>>, %arg14: memref<80x128xf32, #tpu.memory_space<vmem>>, %arg15: memref<80x128xf32, #tpu.memory_space<vmem>>, %arg16: memref<80x128xf32, #tpu.memory_space<vmem>>, %arg17: memref<80x128xf32, #tpu.memory_space<vmem>>, %arg18: memref<80x128xf32, #tpu.memory_space<vmem>>, %arg19: memref<80x128xf32, #tpu.memory_space<vmem>>, %arg20: memref<!tpu.dma_semaphore, #tpu.memory_space<semaphore_mem>>, %arg21: memref<!tpu.dma_semaphore, #tpu.memory_space<semaphore_mem>>, %arg22: memref<!tpu.dma_semaphore, #tpu.memory_space<semaphore_mem>>, %arg23: memref<!tpu.dma_semaphore, #tpu.memory_space<semaphore_mem>>, %arg24: memref<!tpu.dma_semaphore, #tpu.memory_space<semaphore_mem>>, %arg25: memref<!tpu.dma_semaphore, #tpu.memory_space<semaphore_mem>>) attributes {dimension_semantics = [#tpu.dimension_semantics<core_parallel>, #tpu.dimension_semantics<subcore_parallel>], iteration_bounds = array<i64: 2, 16>, scalar_prefetch = 0 : i64, scratch_operands = 16 : i64, tpu.core_type = #tpu.core_type<sc_vector_subcore>, window_params = [{transform_indices = #map}, {transform_indices = #map}, {transform_indices = #map}, {transform_indices = #map1}, {transform_indices = #map1}, {transform_indices = #map}, {transform_indices = #map}, {transform_indices = #map}]} {
    %mul3A = arith.constant 16 : i32
    %mul3A_0 = arith.muli %arg0, %mul3A : i32
    %add3A = arith.addi %mul3A_0, %arg1 : i32
    %mul3A_1 = arith.constant 10000 : i32
    %mul3A_2 = arith.muli %add3A, %mul3A_1 : i32
    %add3A_3 = arith.constant 0 : i32
    %add3A_4 = arith.addi %mul3A_2, %add3A_3 : i32
    %dma_start3A = tpu.memref_slice %arg5[%add3A_4] : memref<320000xi32, #tpu.memory_space<hbm>> -> memref<80xi32, #tpu.memory_space<hbm>>
    %dma_start3A_5 = tpu.memref_slice %arg5[%add3A_4] : memref<320000xi32, #tpu.memory_space<hbm>> -> memref<80xi32, #tpu.memory_space<hbm>>
    tpu.enqueue_dma source(%dma_start3A_5 : memref<80xi32, #tpu.memory_space<hbm>>) target(%arg10 : memref<80xi32, #tpu.memory_space<vmem>>) target_semaphore(%arg20 : memref<!tpu.dma_semaphore, #tpu.memory_space<semaphore_mem>>)
    %dma_start3A_6 = tpu.memref_slice %arg6[%add3A_4] : memref<320000xi32, #tpu.memory_space<hbm>> -> memref<80xi32, #tpu.memory_space<hbm>>
    %dma_start3A_7 = tpu.memref_slice %arg6[%add3A_4] : memref<320000xi32, #tpu.memory_space<hbm>> -> memref<80xi32, #tpu.memory_space<hbm>>
    tpu.enqueue_dma source(%dma_start3A_7 : memref<80xi32, #tpu.memory_space<hbm>>) target(%arg12 : memref<80xi32, #tpu.memory_space<vmem>>) target_semaphore(%arg20 : memref<!tpu.dma_semaphore, #tpu.memory_space<semaphore_mem>>)
    %add3A_8 = arith.constant 80 : i32
    %add3A_9 = arith.addi %mul3A_2, %add3A_8 : i32
    %dma_start3A_10 = tpu.memref_slice %arg5[%add3A_9] : memref<320000xi32, #tpu.memory_space<hbm>> -> memref<80xi32, #tpu.memory_space<hbm>>
    %dma_start3A_11 = tpu.memref_slice %arg5[%add3A_9] : memref<320000xi32, #tpu.memory_space<hbm>> -> memref<80xi32, #tpu.memory_space<hbm>>
    tpu.enqueue_dma source(%dma_start3A_11 : memref<80xi32, #tpu.memory_space<hbm>>) target(%arg11 : memref<80xi32, #tpu.memory_space<vmem>>) target_semaphore(%arg21 : memref<!tpu.dma_semaphore, #tpu.memory_space<semaphore_mem>>)
    %dma_start3A_12 = tpu.memref_slice %arg6[%add3A_9] : memref<320000xi32, #tpu.memory_space<hbm>> -> memref<80xi32, #tpu.memory_space<hbm>>
    %dma_start3A_13 = tpu.memref_slice %arg6[%add3A_9] : memref<320000xi32, #tpu.memory_space<hbm>> -> memref<80xi32, #tpu.memory_space<hbm>>
    tpu.enqueue_dma source(%dma_start3A_13 : memref<80xi32, #tpu.memory_space<hbm>>) target(%arg13 : memref<80xi32, #tpu.memory_space<vmem>>) target_semaphore(%arg21 : memref<!tpu.dma_semaphore, #tpu.memory_space<semaphore_mem>>)
    %scan3A = arith.constant 0 : i32
    %scan3A_14 = arith.constant 0 : i32
    %scan3A_15 = arith.constant 62 : i32
    %scan3A_16 = arith.addi %scan3A_14, %scan3A_15 : i32
    %scan3A_17 = arith.constant 1 : i32
    scf.for %scan3A_112 = %scan3A_14 to %scan3A_16 step %scan3A_17  : i32 {
      %mul3A_113 = arith.constant 2 : i32
      %mul3A_114 = arith.muli %mul3A_113, %scan3A_112 : i32
      %add3A_115 = arith.constant 0 : i32
      %add3A_116 = arith.addi %mul3A_114, %add3A_115 : i32
      %dma_wait3A_117 = arith.constant 0 : i32
      %dma_wait3A_118 = tpu.memref_slice %arg5[%dma_wait3A_117] : memref<320000xi32, #tpu.memory_space<hbm>> -> memref<80xi32, #tpu.memory_space<hbm>>
      %dma_wait3A_119 = arith.constant 0 : i32
      %dma_wait3A_120 = tpu.memref_slice %arg5[%dma_wait3A_119] : memref<320000xi32, #tpu.memory_space<hbm>> -> memref<80xi32, #tpu.memory_space<hbm>>
      tpu.wait_dma2 semaphore(%arg20 : memref<!tpu.dma_semaphore, #tpu.memory_space<semaphore_mem>>) src(%dma_wait3A_120 : memref<80xi32, #tpu.memory_space<hbm>>) dst(%arg10 : memref<80xi32, #tpu.memory_space<vmem>>)
      %dma_wait3A_121 = arith.constant 0 : i32
      %dma_wait3A_122 = tpu.memref_slice %arg6[%dma_wait3A_121] : memref<320000xi32, #tpu.memory_space<hbm>> -> memref<80xi32, #tpu.memory_space<hbm>>
      %dma_wait3A_123 = arith.constant 0 : i32
      %dma_wait3A_124 = tpu.memref_slice %arg6[%dma_wait3A_123] : memref<320000xi32, #tpu.memory_space<hbm>> -> memref<80xi32, #tpu.memory_space<hbm>>
      tpu.wait_dma2 semaphore(%arg20 : memref<!tpu.dma_semaphore, #tpu.memory_space<semaphore_mem>>) src(%dma_wait3A_124 : memref<80xi32, #tpu.memory_space<hbm>>) dst(%arg12 : memref<80xi32, #tpu.memory_space<vmem>>)
      %ge3A = arith.constant 1 : i32
      %ge3A_125 = arith.cmpi sge, %scan3A_112, %ge3A : i32
      %convert_element_type3A = arith.extui %ge3A_125 : i1 to i32
      %cond3A = arith.constant 0 : i32
      %cond3A_126 = arith.cmpi ne, %convert_element_type3A, %cond3A : i32
      scf.if %cond3A_126 {
        %dma_wait3A_223 = arith.constant 0 : i32
        %dma_wait3A_224 = arith.constant 0 : i32
        %dma_wait3A_225 = tpu.memref_slice %arg7[%dma_wait3A_223, %dma_wait3A_224] : memref<320000x128xf32, #tpu.memory_space<hbm>> -> memref<80x128xf32, #tpu.memory_space<hbm>>
        %dma_wait3A_226 = arith.constant 0 : i32
        %dma_wait3A_227 = arith.constant 0 : i32
        %dma_wait3A_228 = tpu.memref_slice %arg7[%dma_wait3A_226, %dma_wait3A_227] : memref<320000x128xf32, #tpu.memory_space<hbm>> -> memref<80x128xf32, #tpu.memory_space<hbm>>
        tpu.wait_dma2 semaphore(%arg24 : memref<!tpu.dma_semaphore, #tpu.memory_space<semaphore_mem>>) src(%arg14 : memref<80x128xf32, #tpu.memory_space<vmem>>) dst(%dma_wait3A_228 : memref<80x128xf32, #tpu.memory_space<hbm>>)
        %dma_wait3A_229 = arith.constant 0 : i32
        %dma_wait3A_230 = arith.constant 0 : i32
        %dma_wait3A_231 = tpu.memref_slice %arg8[%dma_wait3A_229, %dma_wait3A_230] : memref<320000x128xf32, #tpu.memory_space<hbm>> -> memref<80x128xf32, #tpu.memory_space<hbm>>
        %dma_wait3A_232 = arith.constant 0 : i32
        %dma_wait3A_233 = arith.constant 0 : i32
        %dma_wait3A_234 = tpu.memref_slice %arg8[%dma_wait3A_232, %dma_wait3A_233] : memref<320000x128xf32, #tpu.memory_space<hbm>> -> memref<80x128xf32, #tpu.memory_space<hbm>>
        tpu.wait_dma2 semaphore(%arg24 : memref<!tpu.dma_semaphore, #tpu.memory_space<semaphore_mem>>) src(%arg16 : memref<80x128xf32, #tpu.memory_space<vmem>>) dst(%dma_wait3A_234 : memref<80x128xf32, #tpu.memory_space<hbm>>)
        %dma_wait3A_235 = arith.constant 0 : i32
        %dma_wait3A_236 = arith.constant 0 : i32
        %dma_wait3A_237 = tpu.memref_slice %arg9[%dma_wait3A_235, %dma_wait3A_236] : memref<320000x128xf32, #tpu.memory_space<hbm>> -> memref<80x128xf32, #tpu.memory_space<hbm>>
        %dma_wait3A_238 = arith.constant 0 : i32
        %dma_wait3A_239 = arith.constant 0 : i32
        %dma_wait3A_240 = tpu.memref_slice %arg9[%dma_wait3A_238, %dma_wait3A_239] : memref<320000x128xf32, #tpu.memory_space<hbm>> -> memref<80x128xf32, #tpu.memory_space<hbm>>
        tpu.wait_dma2 semaphore(%arg24 : memref<!tpu.dma_semaphore, #tpu.memory_space<semaphore_mem>>) src(%arg18 : memref<80x128xf32, #tpu.memory_space<vmem>>) dst(%dma_wait3A_240 : memref<80x128xf32, #tpu.memory_space<hbm>>)
      } else {
      }
      %mul3A_127 = arith.constant 80 : i32
      %mul3A_128 = arith.muli %add3A_116, %mul3A_127 : i32
      %add3A_129 = arith.addi %mul3A_2, %mul3A_128 : i32
      %dma_start3A_130 = arith.constant 0 : i32
      %dma_start3A_131 = arith.constant 0 : i32
      %dma_start3A_132 = tpu.memref_slice %arg2[%dma_start3A_130, %dma_start3A_131] : memref<10000x128xf32, #tpu.memory_space<hbm>> -> memref<10000x128xf32, #tpu.memory_space<hbm>>
      tpu.enqueue_indirect_dma source(%dma_start3A_132 : memref<10000x128xf32, #tpu.memory_space<hbm>>) target(%arg14 : memref<80x128xf32, #tpu.memory_space<vmem>>) offsets(%arg10 : memref<80xi32, #tpu.memory_space<vmem>>) semaphore(%arg22 : memref<!tpu.dma_semaphore, #tpu.memory_space<semaphore_mem>>)
      %dma_start3A_133 = arith.constant 0 : i32
      %dma_start3A_134 = arith.constant 0 : i32
      %dma_start3A_135 = tpu.memref_slice %arg3[%dma_start3A_133, %dma_start3A_134] : memref<10000x128xf32, #tpu.memory_space<hbm>> -> memref<10000x128xf32, #tpu.memory_space<hbm>>
      tpu.enqueue_indirect_dma source(%dma_start3A_135 : memref<10000x128xf32, #tpu.memory_space<hbm>>) target(%arg16 : memref<80x128xf32, #tpu.memory_space<vmem>>) offsets(%arg12 : memref<80xi32, #tpu.memory_space<vmem>>) semaphore(%arg22 : memref<!tpu.dma_semaphore, #tpu.memory_space<semaphore_mem>>)
      %dma_start3A_136 = arith.constant 0 : i32
      %dma_start3A_137 = arith.constant 0 : i32
      %dma_start3A_138 = tpu.memref_slice %arg4[%dma_start3A_136, %dma_start3A_137] : memref<10000x128xf32, #tpu.memory_space<hbm>> -> memref<10000x128xf32, #tpu.memory_space<hbm>>
      tpu.enqueue_indirect_dma source(%dma_start3A_138 : memref<10000x128xf32, #tpu.memory_space<hbm>>) target(%arg18 : memref<80x128xf32, #tpu.memory_space<vmem>>) offsets(%arg12 : memref<80xi32, #tpu.memory_space<vmem>>) semaphore(%arg22 : memref<!tpu.dma_semaphore, #tpu.memory_space<semaphore_mem>>)
      %dma_wait3A_139 = arith.constant 0 : i32
      %dma_wait3A_140 = arith.constant 0 : i32
      %dma_wait3A_141 = tpu.memref_slice %arg2[%dma_wait3A_139, %dma_wait3A_140] : memref<10000x128xf32, #tpu.memory_space<hbm>> -> memref<10000x128xf32, #tpu.memory_space<hbm>>
      tpu.wait_indirect_dma semaphore(%arg22 : memref<!tpu.dma_semaphore, #tpu.memory_space<semaphore_mem>>) src(%dma_wait3A_141 : memref<10000x128xf32, #tpu.memory_space<hbm>>) dst(%arg14 : memref<80x128xf32, #tpu.memory_space<vmem>>)
      %dma_start3A_142 = arith.constant 0 : i32
      %dma_start3A_143 = tpu.memref_slice %arg7[%add3A_129, %dma_start3A_142] : memref<320000x128xf32, #tpu.memory_space<hbm>> -> memref<80x128xf32, #tpu.memory_space<hbm>>
      %dma_start3A_144 = arith.constant 0 : i32
      %dma_start3A_145 = tpu.memref_slice %arg7[%add3A_129, %dma_start3A_144] : memref<320000x128xf32, #tpu.memory_space<hbm>> -> memref<80x128xf32, #tpu.memory_space<hbm>>
      tpu.enqueue_dma source(%arg14 : memref<80x128xf32, #tpu.memory_space<vmem>>) target(%dma_start3A_145 : memref<80x128xf32, #tpu.memory_space<hbm>>) target_semaphore(%arg24 : memref<!tpu.dma_semaphore, #tpu.memory_space<semaphore_mem>>)
      %dma_wait3A_146 = arith.constant 0 : i32
      %dma_wait3A_147 = arith.constant 0 : i32
      %dma_wait3A_148 = tpu.memref_slice %arg3[%dma_wait3A_146, %dma_wait3A_147] : memref<10000x128xf32, #tpu.memory_space<hbm>> -> memref<10000x128xf32, #tpu.memory_space<hbm>>
      tpu.wait_indirect_dma semaphore(%arg22 : memref<!tpu.dma_semaphore, #tpu.memory_space<semaphore_mem>>) src(%dma_wait3A_148 : memref<10000x128xf32, #tpu.memory_space<hbm>>) dst(%arg16 : memref<80x128xf32, #tpu.memory_space<vmem>>)
      %dma_start3A_149 = arith.constant 0 : i32
      %dma_start3A_150 = tpu.memref_slice %arg8[%add3A_129, %dma_start3A_149] : memref<320000x128xf32, #tpu.memory_space<hbm>> -> memref<80x128xf32, #tpu.memory_space<hbm>>
      %dma_start3A_151 = arith.constant 0 : i32
      %dma_start3A_152 = tpu.memref_slice %arg8[%add3A_129, %dma_start3A_151] : memref<320000x128xf32, #tpu.memory_space<hbm>> -> memref<80x128xf32, #tpu.memory_space<hbm>>
      tpu.enqueue_dma source(%arg16 : memref<80x128xf32, #tpu.memory_space<vmem>>) target(%dma_start3A_152 : memref<80x128xf32, #tpu.memory_space<hbm>>) target_semaphore(%arg24 : memref<!tpu.dma_semaphore, #tpu.memory_space<semaphore_mem>>)
      %dma_wait3A_153 = arith.constant 0 : i32
      %dma_wait3A_154 = arith.constant 0 : i32
      %dma_wait3A_155 = tpu.memref_slice %arg4[%dma_wait3A_153, %dma_wait3A_154] : memref<10000x128xf32, #tpu.memory_space<hbm>> -> memref<10000x128xf32, #tpu.memory_space<hbm>>
      tpu.wait_indirect_dma semaphore(%arg22 : memref<!tpu.dma_semaphore, #tpu.memory_space<semaphore_mem>>) src(%dma_wait3A_155 : memref<10000x128xf32, #tpu.memory_space<hbm>>) dst(%arg18 : memref<80x128xf32, #tpu.memory_space<vmem>>)
      %dma_start3A_156 = arith.constant 0 : i32
      %dma_start3A_157 = tpu.memref_slice %arg9[%add3A_129, %dma_start3A_156] : memref<320000x128xf32, #tpu.memory_space<hbm>> -> memref<80x128xf32, #tpu.memory_space<hbm>>
      %dma_start3A_158 = arith.constant 0 : i32
      %dma_start3A_159 = tpu.memref_slice %arg9[%add3A_129, %dma_start3A_158] : memref<320000x128xf32, #tpu.memory_space<hbm>> -> memref<80x128xf32, #tpu.memory_space<hbm>>
      tpu.enqueue_dma source(%arg18 : memref<80x128xf32, #tpu.memory_space<vmem>>) target(%dma_start3A_159 : memref<80x128xf32, #tpu.memory_space<hbm>>) target_semaphore(%arg24 : memref<!tpu.dma_semaphore, #tpu.memory_space<semaphore_mem>>)
      %add3A_160 = arith.constant 2 : i32
      %add3A_161 = arith.addi %add3A_116, %add3A_160 : i32
      %le3A = arith.constant 124 : i32
      %le3A_162 = arith.cmpi sle, %add3A_161, %le3A : i32
      %convert_element_type3A_163 = arith.extui %le3A_162 : i1 to i32
      %cond3A_164 = arith.constant 0 : i32
      %cond3A_165 = arith.cmpi ne, %convert_element_type3A_163, %cond3A_164 : i32
      scf.if %cond3A_165 {
        %add3A_223 = arith.constant 2 : i32
        %add3A_224 = arith.addi %add3A_116, %add3A_223 : i32
        %mul3A_225 = arith.constant 80 : i32
        %mul3A_226 = arith.muli %add3A_224, %mul3A_225 : i32
        %add3A_227 = arith.addi %mul3A_2, %mul3A_226 : i32
        %dma_start3A_228 = tpu.memref_slice %arg5[%add3A_227] : memref<320000xi32, #tpu.memory_space<hbm>> -> memref<80xi32, #tpu.memory_space<hbm>>
        %dma_start3A_229 = tpu.memref_slice %arg5[%add3A_227] : memref<320000xi32, #tpu.memory_space<hbm>> -> memref<80xi32, #tpu.memory_space<hbm>>
        tpu.enqueue_dma source(%dma_start3A_229 : memref<80xi32, #tpu.memory_space<hbm>>) target(%arg10 : memref<80xi32, #tpu.memory_space<vmem>>) target_semaphore(%arg20 : memref<!tpu.dma_semaphore, #tpu.memory_space<semaphore_mem>>)
        %dma_start3A_230 = tpu.memref_slice %arg6[%add3A_227] : memref<320000xi32, #tpu.memory_space<hbm>> -> memref<80xi32, #tpu.memory_space<hbm>>
        %dma_start3A_231 = tpu.memref_slice %arg6[%add3A_227] : memref<320000xi32, #tpu.memory_space<hbm>> -> memref<80xi32, #tpu.memory_space<hbm>>
        tpu.enqueue_dma source(%dma_start3A_231 : memref<80xi32, #tpu.memory_space<hbm>>) target(%arg12 : memref<80xi32, #tpu.memory_space<vmem>>) target_semaphore(%arg20 : memref<!tpu.dma_semaphore, #tpu.memory_space<semaphore_mem>>)
      } else {
      }
      %mul3A_166 = arith.constant 2 : i32
      %mul3A_167 = arith.muli %mul3A_166, %scan3A_112 : i32
      %add3A_168 = arith.constant 1 : i32
      %add3A_169 = arith.addi %mul3A_167, %add3A_168 : i32
      %dma_wait3A_170 = arith.constant 0 : i32
      %dma_wait3A_171 = tpu.memref_slice %arg5[%dma_wait3A_170] : memref<320000xi32, #tpu.memory_space<hbm>> -> memref<80xi32, #tpu.memory_space<hbm>>
      %dma_wait3A_172 = arith.constant 0 : i32
      %dma_wait3A_173 = tpu.memref_slice %arg5[%dma_wait3A_172] : memref<320000xi32, #tpu.memory_space<hbm>> -> memref<80xi32, #tpu.memory_space<hbm>>
      tpu.wait_dma2 semaphore(%arg21 : memref<!tpu.dma_semaphore, #tpu.memory_space<semaphore_mem>>) src(%dma_wait3A_173 : memref<80xi32, #tpu.memory_space<hbm>>) dst(%arg11 : memref<80xi32, #tpu.memory_space<vmem>>)
      %dma_wait3A_174 = arith.constant 0 : i32
      %dma_wait3A_175 = tpu.memref_slice %arg6[%dma_wait3A_174] : memref<320000xi32, #tpu.memory_space<hbm>> -> memref<80xi32, #tpu.memory_space<hbm>>
      %dma_wait3A_176 = arith.constant 0 : i32
      %dma_wait3A_177 = tpu.memref_slice %arg6[%dma_wait3A_176] : memref<320000xi32, #tpu.memory_space<hbm>> -> memref<80xi32, #tpu.memory_space<hbm>>
      tpu.wait_dma2 semaphore(%arg21 : memref<!tpu.dma_semaphore, #tpu.memory_space<semaphore_mem>>) src(%dma_wait3A_177 : memref<80xi32, #tpu.memory_space<hbm>>) dst(%arg13 : memref<80xi32, #tpu.memory_space<vmem>>)
      %ge3A_178 = arith.constant 1 : i32
      %ge3A_179 = arith.cmpi sge, %scan3A_112, %ge3A_178 : i32
      %convert_element_type3A_180 = arith.extui %ge3A_179 : i1 to i32
      %cond3A_181 = arith.constant 0 : i32
      %cond3A_182 = arith.cmpi ne, %convert_element_type3A_180, %cond3A_181 : i32
      scf.if %cond3A_182 {
        %dma_wait3A_223 = arith.constant 0 : i32
        %dma_wait3A_224 = arith.constant 0 : i32
        %dma_wait3A_225 = tpu.memref_slice %arg7[%dma_wait3A_223, %dma_wait3A_224] : memref<320000x128xf32, #tpu.memory_space<hbm>> -> memref<80x128xf32, #tpu.memory_space<hbm>>
        %dma_wait3A_226 = arith.constant 0 : i32
        %dma_wait3A_227 = arith.constant 0 : i32
        %dma_wait3A_228 = tpu.memref_slice %arg7[%dma_wait3A_226, %dma_wait3A_227] : memref<320000x128xf32, #tpu.memory_space<hbm>> -> memref<80x128xf32, #tpu.memory_space<hbm>>
        tpu.wait_dma2 semaphore(%arg25 : memref<!tpu.dma_semaphore, #tpu.memory_space<semaphore_mem>>) src(%arg15 : memref<80x128xf32, #tpu.memory_space<vmem>>) dst(%dma_wait3A_228 : memref<80x128xf32, #tpu.memory_space<hbm>>)
        %dma_wait3A_229 = arith.constant 0 : i32
        %dma_wait3A_230 = arith.constant 0 : i32
        %dma_wait3A_231 = tpu.memref_slice %arg8[%dma_wait3A_229, %dma_wait3A_230] : memref<320000x128xf32, #tpu.memory_space<hbm>> -> memref<80x128xf32, #tpu.memory_space<hbm>>
        %dma_wait3A_232 = arith.constant 0 : i32
        %dma_wait3A_233 = arith.constant 0 : i32
        %dma_wait3A_234 = tpu.memref_slice %arg8[%dma_wait3A_232, %dma_wait3A_233] : memref<320000x128xf32, #tpu.memory_space<hbm>> -> memref<80x128xf32, #tpu.memory_space<hbm>>
        tpu.wait_dma2 semaphore(%arg25 : memref<!tpu.dma_semaphore, #tpu.memory_space<semaphore_mem>>) src(%arg17 : memref<80x128xf32, #tpu.memory_space<vmem>>) dst(%dma_wait3A_234 : memref<80x128xf32, #tpu.memory_space<hbm>>)
        %dma_wait3A_235 = arith.constant 0 : i32
        %dma_wait3A_236 = arith.constant 0 : i32
        %dma_wait3A_237 = tpu.memref_slice %arg9[%dma_wait3A_235, %dma_wait3A_236] : memref<320000x128xf32, #tpu.memory_space<hbm>> -> memref<80x128xf32, #tpu.memory_space<hbm>>
        %dma_wait3A_238 = arith.constant 0 : i32
        %dma_wait3A_239 = arith.constant 0 : i32
        %dma_wait3A_240 = tpu.memref_slice %arg9[%dma_wait3A_238, %dma_wait3A_239] : memref<320000x128xf32, #tpu.memory_space<hbm>> -> memref<80x128xf32, #tpu.memory_space<hbm>>
        tpu.wait_dma2 semaphore(%arg25 : memref<!tpu.dma_semaphore, #tpu.memory_space<semaphore_mem>>) src(%arg19 : memref<80x128xf32, #tpu.memory_space<vmem>>) dst(%dma_wait3A_240 : memref<80x128xf32, #tpu.memory_space<hbm>>)
      } else {
      }
      %mul3A_183 = arith.constant 80 : i32
      %mul3A_184 = arith.muli %add3A_169, %mul3A_183 : i32
      %add3A_185 = arith.addi %mul3A_2, %mul3A_184 : i32
      %dma_start3A_186 = arith.constant 0 : i32
      %dma_start3A_187 = arith.constant 0 : i32
      %dma_start3A_188 = tpu.memref_slice %arg2[%dma_start3A_186, %dma_start3A_187] : memref<10000x128xf32, #tpu.memory_space<hbm>> -> memref<10000x128xf32, #tpu.memory_space<hbm>>
      tpu.enqueue_indirect_dma source(%dma_start3A_188 : memref<10000x128xf32, #tpu.memory_space<hbm>>) target(%arg15 : memref<80x128xf32, #tpu.memory_space<vmem>>) offsets(%arg11 : memref<80xi32, #tpu.memory_space<vmem>>) semaphore(%arg23 : memref<!tpu.dma_semaphore, #tpu.memory_space<semaphore_mem>>)
      %dma_start3A_189 = arith.constant 0 : i32
      %dma_start3A_190 = arith.constant 0 : i32
      %dma_start3A_191 = tpu.memref_slice %arg3[%dma_start3A_189, %dma_start3A_190] : memref<10000x128xf32, #tpu.memory_space<hbm>> -> memref<10000x128xf32, #tpu.memory_space<hbm>>
      tpu.enqueue_indirect_dma source(%dma_start3A_191 : memref<10000x128xf32, #tpu.memory_space<hbm>>) target(%arg17 : memref<80x128xf32, #tpu.memory_space<vmem>>) offsets(%arg13 : memref<80xi32, #tpu.memory_space<vmem>>) semaphore(%arg23 : memref<!tpu.dma_semaphore, #tpu.memory_space<semaphore_mem>>)
      %dma_start3A_192 = arith.constant 0 : i32
      %dma_start3A_193 = arith.constant 0 : i32
      %dma_start3A_194 = tpu.memref_slice %arg4[%dma_start3A_192, %dma_start3A_193] : memref<10000x128xf32, #tpu.memory_space<hbm>> -> memref<10000x128xf32, #tpu.memory_space<hbm>>
      tpu.enqueue_indirect_dma source(%dma_start3A_194 : memref<10000x128xf32, #tpu.memory_space<hbm>>) target(%arg19 : memref<80x128xf32, #tpu.memory_space<vmem>>) offsets(%arg13 : memref<80xi32, #tpu.memory_space<vmem>>) semaphore(%arg23 : memref<!tpu.dma_semaphore, #tpu.memory_space<semaphore_mem>>)
      %dma_wait3A_195 = arith.constant 0 : i32
      %dma_wait3A_196 = arith.constant 0 : i32
      %dma_wait3A_197 = tpu.memref_slice %arg2[%dma_wait3A_195, %dma_wait3A_196] : memref<10000x128xf32, #tpu.memory_space<hbm>> -> memref<10000x128xf32, #tpu.memory_space<hbm>>
      tpu.wait_indirect_dma semaphore(%arg23 : memref<!tpu.dma_semaphore, #tpu.memory_space<semaphore_mem>>) src(%dma_wait3A_197 : memref<10000x128xf32, #tpu.memory_space<hbm>>) dst(%arg15 : memref<80x128xf32, #tpu.memory_space<vmem>>)
      %dma_start3A_198 = arith.constant 0 : i32
      %dma_start3A_199 = tpu.memref_slice %arg7[%add3A_185, %dma_start3A_198] : memref<320000x128xf32, #tpu.memory_space<hbm>> -> memref<80x128xf32, #tpu.memory_space<hbm>>
      %dma_start3A_200 = arith.constant 0 : i32
      %dma_start3A_201 = tpu.memref_slice %arg7[%add3A_185, %dma_start3A_200] : memref<320000x128xf32, #tpu.memory_space<hbm>> -> memref<80x128xf32, #tpu.memory_space<hbm>>
      tpu.enqueue_dma source(%arg15 : memref<80x128xf32, #tpu.memory_space<vmem>>) target(%dma_start3A_201 : memref<80x128xf32, #tpu.memory_space<hbm>>) target_semaphore(%arg25 : memref<!tpu.dma_semaphore, #tpu.memory_space<semaphore_mem>>)
      %dma_wait3A_202 = arith.constant 0 : i32
      %dma_wait3A_203 = arith.constant 0 : i32
      %dma_wait3A_204 = tpu.memref_slice %arg3[%dma_wait3A_202, %dma_wait3A_203] : memref<10000x128xf32, #tpu.memory_space<hbm>> -> memref<10000x128xf32, #tpu.memory_space<hbm>>
      tpu.wait_indirect_dma semaphore(%arg23 : memref<!tpu.dma_semaphore, #tpu.memory_space<semaphore_mem>>) src(%dma_wait3A_204 : memref<10000x128xf32, #tpu.memory_space<hbm>>) dst(%arg17 : memref<80x128xf32, #tpu.memory_space<vmem>>)
      %dma_start3A_205 = arith.constant 0 : i32
      %dma_start3A_206 = tpu.memref_slice %arg8[%add3A_185, %dma_start3A_205] : memref<320000x128xf32, #tpu.memory_space<hbm>> -> memref<80x128xf32, #tpu.memory_space<hbm>>
      %dma_start3A_207 = arith.constant 0 : i32
      %dma_start3A_208 = tpu.memref_slice %arg8[%add3A_185, %dma_start3A_207] : memref<320000x128xf32, #tpu.memory_space<hbm>> -> memref<80x128xf32, #tpu.memory_space<hbm>>
      tpu.enqueue_dma source(%arg17 : memref<80x128xf32, #tpu.memory_space<vmem>>) target(%dma_start3A_208 : memref<80x128xf32, #tpu.memory_space<hbm>>) target_semaphore(%arg25 : memref<!tpu.dma_semaphore, #tpu.memory_space<semaphore_mem>>)
      %dma_wait3A_209 = arith.constant 0 : i32
      %dma_wait3A_210 = arith.constant 0 : i32
      %dma_wait3A_211 = tpu.memref_slice %arg4[%dma_wait3A_209, %dma_wait3A_210] : memref<10000x128xf32, #tpu.memory_space<hbm>> -> memref<10000x128xf32, #tpu.memory_space<hbm>>
      tpu.wait_indirect_dma semaphore(%arg23 : memref<!tpu.dma_semaphore, #tpu.memory_space<semaphore_mem>>) src(%dma_wait3A_211 : memref<10000x128xf32, #tpu.memory_space<hbm>>) dst(%arg19 : memref<80x128xf32, #tpu.memory_space<vmem>>)
      %dma_start3A_212 = arith.constant 0 : i32
      %dma_start3A_213 = tpu.memref_slice %arg9[%add3A_185, %dma_start3A_212] : memref<320000x128xf32, #tpu.memory_space<hbm>> -> memref<80x128xf32, #tpu.memory_space<hbm>>
      %dma_start3A_214 = arith.constant 0 : i32
      %dma_start3A_215 = tpu.memref_slice %arg9[%add3A_185, %dma_start3A_214] : memref<320000x128xf32, #tpu.memory_space<hbm>> -> memref<80x128xf32, #tpu.memory_space<hbm>>
      tpu.enqueue_dma source(%arg19 : memref<80x128xf32, #tpu.memory_space<vmem>>) target(%dma_start3A_215 : memref<80x128xf32, #tpu.memory_space<hbm>>) target_semaphore(%arg25 : memref<!tpu.dma_semaphore, #tpu.memory_space<semaphore_mem>>)
      %add3A_216 = arith.constant 2 : i32
      %add3A_217 = arith.addi %add3A_169, %add3A_216 : i32
      %le3A_218 = arith.constant 124 : i32
      %le3A_219 = arith.cmpi sle, %add3A_217, %le3A_218 : i32
      %convert_element_type3A_220 = arith.extui %le3A_219 : i1 to i32
      %cond3A_221 = arith.constant 0 : i32
      %cond3A_222 = arith.cmpi ne, %convert_element_type3A_220, %cond3A_221 : i32
      scf.if %cond3A_222 {
        %add3A_223 = arith.constant 2 : i32
        %add3A_224 = arith.addi %add3A_169, %add3A_223 : i32
        %mul3A_225 = arith.constant 80 : i32
        %mul3A_226 = arith.muli %add3A_224, %mul3A_225 : i32
        %add3A_227 = arith.addi %mul3A_2, %mul3A_226 : i32
        %dma_start3A_228 = tpu.memref_slice %arg5[%add3A_227] : memref<320000xi32, #tpu.memory_space<hbm>> -> memref<80xi32, #tpu.memory_space<hbm>>
        %dma_start3A_229 = tpu.memref_slice %arg5[%add3A_227] : memref<320000xi32, #tpu.memory_space<hbm>> -> memref<80xi32, #tpu.memory_space<hbm>>
        tpu.enqueue_dma source(%dma_start3A_229 : memref<80xi32, #tpu.memory_space<hbm>>) target(%arg11 : memref<80xi32, #tpu.memory_space<vmem>>) target_semaphore(%arg21 : memref<!tpu.dma_semaphore, #tpu.memory_space<semaphore_mem>>)
        %dma_start3A_230 = tpu.memref_slice %arg6[%add3A_227] : memref<320000xi32, #tpu.memory_space<hbm>> -> memref<80xi32, #tpu.memory_space<hbm>>
        %dma_start3A_231 = tpu.memref_slice %arg6[%add3A_227] : memref<320000xi32, #tpu.memory_space<hbm>> -> memref<80xi32, #tpu.memory_space<hbm>>
        tpu.enqueue_dma source(%dma_start3A_231 : memref<80xi32, #tpu.memory_space<hbm>>) target(%arg13 : memref<80xi32, #tpu.memory_space<vmem>>) target_semaphore(%arg21 : memref<!tpu.dma_semaphore, #tpu.memory_space<semaphore_mem>>)
      } else {
      }
    }
    %scan3A_18 = arith.constant 62 : i32
    %dma_wait3A = arith.constant 0 : i32
    %dma_wait3A_19 = tpu.memref_slice %arg5[%dma_wait3A] : memref<320000xi32, #tpu.memory_space<hbm>> -> memref<80xi32, #tpu.memory_space<hbm>>
    %dma_wait3A_20 = arith.constant 0 : i32
    %dma_wait3A_21 = tpu.memref_slice %arg5[%dma_wait3A_20] : memref<320000xi32, #tpu.memory_space<hbm>> -> memref<80xi32, #tpu.memory_space<hbm>>
    tpu.wait_dma2 semaphore(%arg20 : memref<!tpu.dma_semaphore, #tpu.memory_space<semaphore_mem>>) src(%dma_wait3A_21 : memref<80xi32, #tpu.memory_space<hbm>>) dst(%arg10 : memref<80xi32, #tpu.memory_space<vmem>>)
    %dma_wait3A_22 = arith.constant 0 : i32
    %dma_wait3A_23 = tpu.memref_slice %arg6[%dma_wait3A_22] : memref<320000xi32, #tpu.memory_space<hbm>> -> memref<80xi32, #tpu.memory_space<hbm>>
    %dma_wait3A_24 = arith.constant 0 : i32
    %dma_wait3A_25 = tpu.memref_slice %arg6[%dma_wait3A_24] : memref<320000xi32, #tpu.memory_space<hbm>> -> memref<80xi32, #tpu.memory_space<hbm>>
    tpu.wait_dma2 semaphore(%arg20 : memref<!tpu.dma_semaphore, #tpu.memory_space<semaphore_mem>>) src(%dma_wait3A_25 : memref<80xi32, #tpu.memory_space<hbm>>) dst(%arg12 : memref<80xi32, #tpu.memory_space<vmem>>)
    %dma_wait3A_26 = arith.constant 0 : i32
    %dma_wait3A_27 = arith.constant 0 : i32
    %dma_wait3A_28 = tpu.memref_slice %arg7[%dma_wait3A_26, %dma_wait3A_27] : memref<320000x128xf32, #tpu.memory_space<hbm>> -> memref<80x128xf32, #tpu.memory_space<hbm>>
    %dma_wait3A_29 = arith.constant 0 : i32
    %dma_wait3A_30 = arith.constant 0 : i32
    %dma_wait3A_31 = tpu.memref_slice %arg7[%dma_wait3A_29, %dma_wait3A_30] : memref<320000x128xf32, #tpu.memory_space<hbm>> -> memref<80x128xf32, #tpu.memory_space<hbm>>
    tpu.wait_dma2 semaphore(%arg24 : memref<!tpu.dma_semaphore, #tpu.memory_space<semaphore_mem>>) src(%arg14 : memref<80x128xf32, #tpu.memory_space<vmem>>) dst(%dma_wait3A_31 : memref<80x128xf32, #tpu.memory_space<hbm>>)
    %dma_wait3A_32 = arith.constant 0 : i32
    %dma_wait3A_33 = arith.constant 0 : i32
    %dma_wait3A_34 = tpu.memref_slice %arg8[%dma_wait3A_32, %dma_wait3A_33] : memref<320000x128xf32, #tpu.memory_space<hbm>> -> memref<80x128xf32, #tpu.memory_space<hbm>>
    %dma_wait3A_35 = arith.constant 0 : i32
    %dma_wait3A_36 = arith.constant 0 : i32
    %dma_wait3A_37 = tpu.memref_slice %arg8[%dma_wait3A_35, %dma_wait3A_36] : memref<320000x128xf32, #tpu.memory_space<hbm>> -> memref<80x128xf32, #tpu.memory_space<hbm>>
    tpu.wait_dma2 semaphore(%arg24 : memref<!tpu.dma_semaphore, #tpu.memory_space<semaphore_mem>>) src(%arg16 : memref<80x128xf32, #tpu.memory_space<vmem>>) dst(%dma_wait3A_37 : memref<80x128xf32, #tpu.memory_space<hbm>>)
    %dma_wait3A_38 = arith.constant 0 : i32
    %dma_wait3A_39 = arith.constant 0 : i32
    %dma_wait3A_40 = tpu.memref_slice %arg9[%dma_wait3A_38, %dma_wait3A_39] : memref<320000x128xf32, #tpu.memory_space<hbm>> -> memref<80x128xf32, #tpu.memory_space<hbm>>
    %dma_wait3A_41 = arith.constant 0 : i32
    %dma_wait3A_42 = arith.constant 0 : i32
    %dma_wait3A_43 = tpu.memref_slice %arg9[%dma_wait3A_41, %dma_wait3A_42] : memref<320000x128xf32, #tpu.memory_space<hbm>> -> memref<80x128xf32, #tpu.memory_space<hbm>>
    tpu.wait_dma2 semaphore(%arg24 : memref<!tpu.dma_semaphore, #tpu.memory_space<semaphore_mem>>) src(%arg18 : memref<80x128xf32, #tpu.memory_space<vmem>>) dst(%dma_wait3A_43 : memref<80x128xf32, #tpu.memory_space<hbm>>)
    %add3A_44 = arith.constant 9920 : i32
    %add3A_45 = arith.addi %mul3A_2, %add3A_44 : i32
    %dma_start3A_46 = arith.constant 0 : i32
    %dma_start3A_47 = arith.constant 0 : i32
    %dma_start3A_48 = tpu.memref_slice %arg2[%dma_start3A_46, %dma_start3A_47] : memref<10000x128xf32, #tpu.memory_space<hbm>> -> memref<10000x128xf32, #tpu.memory_space<hbm>>
    tpu.enqueue_indirect_dma source(%dma_start3A_48 : memref<10000x128xf32, #tpu.memory_space<hbm>>) target(%arg14 : memref<80x128xf32, #tpu.memory_space<vmem>>) offsets(%arg10 : memref<80xi32, #tpu.memory_space<vmem>>) semaphore(%arg22 : memref<!tpu.dma_semaphore, #tpu.memory_space<semaphore_mem>>)
    %dma_start3A_49 = arith.constant 0 : i32
    %dma_start3A_50 = arith.constant 0 : i32
    %dma_start3A_51 = tpu.memref_slice %arg3[%dma_start3A_49, %dma_start3A_50] : memref<10000x128xf32, #tpu.memory_space<hbm>> -> memref<10000x128xf32, #tpu.memory_space<hbm>>
    tpu.enqueue_indirect_dma source(%dma_start3A_51 : memref<10000x128xf32, #tpu.memory_space<hbm>>) target(%arg16 : memref<80x128xf32, #tpu.memory_space<vmem>>) offsets(%arg12 : memref<80xi32, #tpu.memory_space<vmem>>) semaphore(%arg22 : memref<!tpu.dma_semaphore, #tpu.memory_space<semaphore_mem>>)
    %dma_start3A_52 = arith.constant 0 : i32
    %dma_start3A_53 = arith.constant 0 : i32
    %dma_start3A_54 = tpu.memref_slice %arg4[%dma_start3A_52, %dma_start3A_53] : memref<10000x128xf32, #tpu.memory_space<hbm>> -> memref<10000x128xf32, #tpu.memory_space<hbm>>
    tpu.enqueue_indirect_dma source(%dma_start3A_54 : memref<10000x128xf32, #tpu.memory_space<hbm>>) target(%arg18 : memref<80x128xf32, #tpu.memory_space<vmem>>) offsets(%arg12 : memref<80xi32, #tpu.memory_space<vmem>>) semaphore(%arg22 : memref<!tpu.dma_semaphore, #tpu.memory_space<semaphore_mem>>)
    %dma_wait3A_55 = arith.constant 0 : i32
    %dma_wait3A_56 = arith.constant 0 : i32
    %dma_wait3A_57 = tpu.memref_slice %arg2[%dma_wait3A_55, %dma_wait3A_56] : memref<10000x128xf32, #tpu.memory_space<hbm>> -> memref<10000x128xf32, #tpu.memory_space<hbm>>
    tpu.wait_indirect_dma semaphore(%arg22 : memref<!tpu.dma_semaphore, #tpu.memory_space<semaphore_mem>>) src(%dma_wait3A_57 : memref<10000x128xf32, #tpu.memory_space<hbm>>) dst(%arg14 : memref<80x128xf32, #tpu.memory_space<vmem>>)
    %dma_start3A_58 = arith.constant 0 : i32
    %dma_start3A_59 = tpu.memref_slice %arg7[%add3A_45, %dma_start3A_58] : memref<320000x128xf32, #tpu.memory_space<hbm>> -> memref<80x128xf32, #tpu.memory_space<hbm>>
    %dma_start3A_60 = arith.constant 0 : i32
    %dma_start3A_61 = tpu.memref_slice %arg7[%add3A_45, %dma_start3A_60] : memref<320000x128xf32, #tpu.memory_space<hbm>> -> memref<80x128xf32, #tpu.memory_space<hbm>>
    tpu.enqueue_dma source(%arg14 : memref<80x128xf32, #tpu.memory_space<vmem>>) target(%dma_start3A_61 : memref<80x128xf32, #tpu.memory_space<hbm>>) target_semaphore(%arg24 : memref<!tpu.dma_semaphore, #tpu.memory_space<semaphore_mem>>)
    %dma_wait3A_62 = arith.constant 0 : i32
    %dma_wait3A_63 = arith.constant 0 : i32
    %dma_wait3A_64 = tpu.memref_slice %arg3[%dma_wait3A_62, %dma_wait3A_63] : memref<10000x128xf32, #tpu.memory_space<hbm>> -> memref<10000x128xf32, #tpu.memory_space<hbm>>
    tpu.wait_indirect_dma semaphore(%arg22 : memref<!tpu.dma_semaphore, #tpu.memory_space<semaphore_mem>>) src(%dma_wait3A_64 : memref<10000x128xf32, #tpu.memory_space<hbm>>) dst(%arg16 : memref<80x128xf32, #tpu.memory_space<vmem>>)
    %dma_start3A_65 = arith.constant 0 : i32
    %dma_start3A_66 = tpu.memref_slice %arg8[%add3A_45, %dma_start3A_65] : memref<320000x128xf32, #tpu.memory_space<hbm>> -> memref<80x128xf32, #tpu.memory_space<hbm>>
    %dma_start3A_67 = arith.constant 0 : i32
    %dma_start3A_68 = tpu.memref_slice %arg8[%add3A_45, %dma_start3A_67] : memref<320000x128xf32, #tpu.memory_space<hbm>> -> memref<80x128xf32, #tpu.memory_space<hbm>>
    tpu.enqueue_dma source(%arg16 : memref<80x128xf32, #tpu.memory_space<vmem>>) target(%dma_start3A_68 : memref<80x128xf32, #tpu.memory_space<hbm>>) target_semaphore(%arg24 : memref<!tpu.dma_semaphore, #tpu.memory_space<semaphore_mem>>)
    %dma_wait3A_69 = arith.constant 0 : i32
    %dma_wait3A_70 = arith.constant 0 : i32
    %dma_wait3A_71 = tpu.memref_slice %arg4[%dma_wait3A_69, %dma_wait3A_70] : memref<10000x128xf32, #tpu.memory_space<hbm>> -> memref<10000x128xf32, #tpu.memory_space<hbm>>
    tpu.wait_indirect_dma semaphore(%arg22 : memref<!tpu.dma_semaphore, #tpu.memory_space<semaphore_mem>>) src(%dma_wait3A_71 : memref<10000x128xf32, #tpu.memory_space<hbm>>) dst(%arg18 : memref<80x128xf32, #tpu.memory_space<vmem>>)
    %dma_start3A_72 = arith.constant 0 : i32
    %dma_start3A_73 = tpu.memref_slice %arg9[%add3A_45, %dma_start3A_72] : memref<320000x128xf32, #tpu.memory_space<hbm>> -> memref<80x128xf32, #tpu.memory_space<hbm>>
    %dma_start3A_74 = arith.constant 0 : i32
    %dma_start3A_75 = tpu.memref_slice %arg9[%add3A_45, %dma_start3A_74] : memref<320000x128xf32, #tpu.memory_space<hbm>> -> memref<80x128xf32, #tpu.memory_space<hbm>>
    tpu.enqueue_dma source(%arg18 : memref<80x128xf32, #tpu.memory_space<vmem>>) target(%dma_start3A_75 : memref<80x128xf32, #tpu.memory_space<hbm>>) target_semaphore(%arg24 : memref<!tpu.dma_semaphore, #tpu.memory_space<semaphore_mem>>)
    %dma_wait3A_76 = arith.constant 0 : i32
    %dma_wait3A_77 = arith.constant 0 : i32
    %dma_wait3A_78 = tpu.memref_slice %arg7[%dma_wait3A_76, %dma_wait3A_77] : memref<320000x128xf32, #tpu.memory_space<hbm>> -> memref<80x128xf32, #tpu.memory_space<hbm>>
    %dma_wait3A_79 = arith.constant 0 : i32
    %dma_wait3A_80 = arith.constant 0 : i32
    %dma_wait3A_81 = tpu.memref_slice %arg7[%dma_wait3A_79, %dma_wait3A_80] : memref<320000x128xf32, #tpu.memory_space<hbm>> -> memref<80x128xf32, #tpu.memory_space<hbm>>
    tpu.wait_dma2 semaphore(%arg24 : memref<!tpu.dma_semaphore, #tpu.memory_space<semaphore_mem>>) src(%arg14 : memref<80x128xf32, #tpu.memory_space<vmem>>) dst(%dma_wait3A_81 : memref<80x128xf32, #tpu.memory_space<hbm>>)
    %dma_wait3A_82 = arith.constant 0 : i32
    %dma_wait3A_83 = arith.constant 0 : i32
    %dma_wait3A_84 = tpu.memref_slice %arg8[%dma_wait3A_82, %dma_wait3A_83] : memref<320000x128xf32, #tpu.memory_space<hbm>> -> memref<80x128xf32, #tpu.memory_space<hbm>>
    %dma_wait3A_85 = arith.constant 0 : i32
    %dma_wait3A_86 = arith.constant 0 : i32
    %dma_wait3A_87 = tpu.memref_slice %arg8[%dma_wait3A_85, %dma_wait3A_86] : memref<320000x128xf32, #tpu.memory_space<hbm>> -> memref<80x128xf32, #tpu.memory_space<hbm>>
    tpu.wait_dma2 semaphore(%arg24 : memref<!tpu.dma_semaphore, #tpu.memory_space<semaphore_mem>>) src(%arg16 : memref<80x128xf32, #tpu.memory_space<vmem>>) dst(%dma_wait3A_87 : memref<80x128xf32, #tpu.memory_space<hbm>>)
    %dma_wait3A_88 = arith.constant 0 : i32
    %dma_wait3A_89 = arith.constant 0 : i32
    %dma_wait3A_90 = tpu.memref_slice %arg9[%dma_wait3A_88, %dma_wait3A_89] : memref<320000x128xf32, #tpu.memory_space<hbm>> -> memref<80x128xf32, #tpu.memory_space<hbm>>
    %dma_wait3A_91 = arith.constant 0 : i32
    %dma_wait3A_92 = arith.constant 0 : i32
    %dma_wait3A_93 = tpu.memref_slice %arg9[%dma_wait3A_91, %dma_wait3A_92] : memref<320000x128xf32, #tpu.memory_space<hbm>> -> memref<80x128xf32, #tpu.memory_space<hbm>>
    tpu.wait_dma2 semaphore(%arg24 : memref<!tpu.dma_semaphore, #tpu.memory_space<semaphore_mem>>) src(%arg18 : memref<80x128xf32, #tpu.memory_space<vmem>>) dst(%dma_wait3A_93 : memref<80x128xf32, #tpu.memory_space<hbm>>)
    %dma_wait3A_94 = arith.constant 0 : i32
    %dma_wait3A_95 = arith.constant 0 : i32
    %dma_wait3A_96 = tpu.memref_slice %arg7[%dma_wait3A_94, %dma_wait3A_95] : memref<320000x128xf32, #tpu.memory_space<hbm>> -> memref<80x128xf32, #tpu.memory_space<hbm>>
    %dma_wait3A_97 = arith.constant 0 : i32
    %dma_wait3A_98 = arith.constant 0 : i32
    %dma_wait3A_99 = tpu.memref_slice %arg7[%dma_wait3A_97, %dma_wait3A_98] : memref<320000x128xf32, #tpu.memory_space<hbm>> -> memref<80x128xf32, #tpu.memory_space<hbm>>
    tpu.wait_dma2 semaphore(%arg25 : memref<!tpu.dma_semaphore, #tpu.memory_space<semaphore_mem>>) src(%arg15 : memref<80x128xf32, #tpu.memory_space<vmem>>) dst(%dma_wait3A_99 : memref<80x128xf32, #tpu.memory_space<hbm>>)
    %dma_wait3A_100 = arith.constant 0 : i32
    %dma_wait3A_101 = arith.constant 0 : i32
    %dma_wait3A_102 = tpu.memref_slice %arg8[%dma_wait3A_100, %dma_wait3A_101] : memref<320000x128xf32, #tpu.memory_space<hbm>> -> memref<80x128xf32, #tpu.memory_space<hbm>>
    %dma_wait3A_103 = arith.constant 0 : i32
    %dma_wait3A_104 = arith.constant 0 : i32
    %dma_wait3A_105 = tpu.memref_slice %arg8[%dma_wait3A_103, %dma_wait3A_104] : memref<320000x128xf32, #tpu.memory_space<hbm>> -> memref<80x128xf32, #tpu.memory_space<hbm>>
    tpu.wait_dma2 semaphore(%arg25 : memref<!tpu.dma_semaphore, #tpu.memory_space<semaphore_mem>>) src(%arg17 : memref<80x128xf32, #tpu.memory_space<vmem>>) dst(%dma_wait3A_105 : memref<80x128xf32, #tpu.memory_space<hbm>>)
    %dma_wait3A_106 = arith.constant 0 : i32
    %dma_wait3A_107 = arith.constant 0 : i32
    %dma_wait3A_108 = tpu.memref_slice %arg9[%dma_wait3A_106, %dma_wait3A_107] : memref<320000x128xf32, #tpu.memory_space<hbm>> -> memref<80x128xf32, #tpu.memory_space<hbm>>
    %dma_wait3A_109 = arith.constant 0 : i32
    %dma_wait3A_110 = arith.constant 0 : i32
    %dma_wait3A_111 = tpu.memref_slice %arg9[%dma_wait3A_109, %dma_wait3A_110] : memref<320000x128xf32, #tpu.memory_space<hbm>> -> memref<80x128xf32, #tpu.memory_space<hbm>>
    tpu.wait_dma2 semaphore(%arg25 : memref<!tpu.dma_semaphore, #tpu.memory_space<semaphore_mem>>) src(%arg19 : memref<80x128xf32, #tpu.memory_space<vmem>>) dst(%dma_wait3A_111 : memref<80x128xf32, #tpu.memory_space<hbm>>)
    return
  }
}

#map = affine_map<(d0, d1) -> (0, 0)>
#map1 = affine_map<(d0, d1) -> (0)>
#map2 = affine_map<(d0, d1) -> (0, 0, 0)>
module attributes {stable_mosaic.version = 14 : i64} {
  func.func @_scatter_body(%arg0: i32, %arg1: i32, %arg2: memref<320000x128xf32, #tpu.memory_space<hbm>>, %arg3: memref<320000x128xf32, #tpu.memory_space<hbm>>, %arg4: memref<320000xi32, #tpu.memory_space<hbm>>, %arg5: memref<64x128xf32, #tpu.memory_space<hbm>>, %arg6: memref<2x5120x128xf32, #tpu.memory_space<hbm>>, %arg7: memref<2x5120x128xf32, #tpu.memory_space<hbm>>, %arg8: memref<80xi32, #tpu.memory_space<vmem>>, %arg9: memref<80xi32, #tpu.memory_space<vmem>>, %arg10: memref<80x128xf32, #tpu.memory_space<vmem>>, %arg11: memref<64xi32, #tpu.memory_space<vmem>>, %arg12: memref<64x128xf32, #tpu.memory_space<vmem>>, %arg13: memref<64x128xf32, #tpu.memory_space<vmem>>, %arg14: memref<!tpu.dma_semaphore, #tpu.memory_space<semaphore_mem>>, %arg15: memref<!tpu.dma_semaphore, #tpu.memory_space<semaphore_mem>>, %arg16: memref<!tpu.dma_semaphore, #tpu.memory_space<semaphore_mem>>, %arg17: memref<5128x128xf32, #tpu.memory_space<vmem_shared>>) attributes {dimension_semantics = [#tpu.dimension_semantics<core_parallel>, #tpu.dimension_semantics<subcore_parallel>], iteration_bounds = array<i64: 2, 16>, scalar_prefetch = 0 : i64, scratch_operands = 10 : i64, tpu.core_type = #tpu.core_type<sc_vector_subcore>, window_params = [{transform_indices = #map}, {transform_indices = #map}, {transform_indices = #map1}, {transform_indices = #map}, {transform_indices = #map2}, {transform_indices = #map2}]} {
    %mul3A = arith.constant 320 : i32
    %mul3A_0 = arith.muli %arg1, %mul3A : i32
    %iota3A = tpu.iota {dimensions = array<i32: 0>} : vector<16xi32>
    %mul3A_1 = arith.constant 5120 : i32
    %mul3A_2 = arith.muli %arg0, %mul3A_1 : i32
    "tpu.region"() ({
      %run_scoped3A = tpu.sem_alloc : memref<!tpu.dma_semaphore, #tpu.memory_space<semaphore_mem>>
      tpu.enqueue_dma source(%arg5 : memref<64x128xf32, #tpu.memory_space<hbm>>) target(%arg12 : memref<64x128xf32, #tpu.memory_space<vmem>>) target_semaphore(%run_scoped3A : memref<!tpu.dma_semaphore, #tpu.memory_space<semaphore_mem>>)
      tpu.wait_dma2 semaphore(%run_scoped3A : memref<!tpu.dma_semaphore, #tpu.memory_space<semaphore_mem>>) src(%arg5 : memref<64x128xf32, #tpu.memory_space<hbm>>) dst(%arg12 : memref<64x128xf32, #tpu.memory_space<vmem>>)
      tpu.yield
    }) : () -> ()
    %scan3A = arith.constant 0 : i32
    %scan3A_3 = arith.constant 0 : i32
    %scan3A_4 = arith.constant 5 : i32
    %scan3A_5 = arith.addi %scan3A_3, %scan3A_4 : i32
    %scan3A_6 = arith.constant 1 : i32
    scf.for %scan3A_41 = %scan3A_3 to %scan3A_5 step %scan3A_6  : i32 {
      %mul3A_42 = arith.constant 64 : i32
      %mul3A_43 = arith.muli %scan3A_41, %mul3A_42 : i32
      %add3A = arith.addi %mul3A_0, %mul3A_43 : i32
      %add3A_44 = arith.constant 0 : i32
      %add3A_45 = arith.addi %add3A, %add3A_44 : i32
      %add3A_46 = vector.broadcast %add3A_45 : i32 to vector<16xi32>
      %add3A_47 = arith.addi %add3A_46, %iota3A : vector<16xi32>
      %swap3A = arith.constant 0 : index
      %swap3A_48 = tpu.vector_load %arg11[%swap3A] {strides = array<i32>} : memref<64xi32, #tpu.memory_space<vmem>>, vector<16xi32>,
      %swap3A_49 = vector.shape_cast %swap3A_48 : vector<16xi32> to vector<16xi32>
      %swap3A_50 = vector.shape_cast %add3A_47 : vector<16xi32> to vector<16xi32>
      tpu.vector_store %arg11[%swap3A], %swap3A_50 {strides = array<i32>} : memref<64xi32, #tpu.memory_space<vmem>>, vector<16xi32>,
      %add3A_51 = arith.constant 16 : i32
      %add3A_52 = arith.addi %add3A, %add3A_51 : i32
      %add3A_53 = vector.broadcast %add3A_52 : i32 to vector<16xi32>
      %add3A_54 = arith.addi %add3A_53, %iota3A : vector<16xi32>
      %swap3A_55 = arith.constant 16 : index
      %swap3A_56 = tpu.vector_load %arg11[%swap3A_55] {strides = array<i32>} : memref<64xi32, #tpu.memory_space<vmem>>, vector<16xi32>,
      %swap3A_57 = vector.shape_cast %swap3A_56 : vector<16xi32> to vector<16xi32>
      %swap3A_58 = vector.shape_cast %add3A_54 : vector<16xi32> to vector<16xi32>
      tpu.vector_store %arg11[%swap3A_55], %swap3A_58 {strides = array<i32>} : memref<64xi32, #tpu.memory_space<vmem>>, vector<16xi32>,
      %add3A_59 = arith.constant 32 : i32
      %add3A_60 = arith.addi %add3A, %add3A_59 : i32
      %add3A_61 = vector.broadcast %add3A_60 : i32 to vector<16xi32>
      %add3A_62 = arith.addi %add3A_61, %iota3A : vector<16xi32>
      %swap3A_63 = arith.constant 32 : index
      %swap3A_64 = tpu.vector_load %arg11[%swap3A_63] {strides = array<i32>} : memref<64xi32, #tpu.memory_space<vmem>>, vector<16xi32>,
      %swap3A_65 = vector.shape_cast %swap3A_64 : vector<16xi32> to vector<16xi32>
      %swap3A_66 = vector.shape_cast %add3A_62 : vector<16xi32> to vector<16xi32>
      tpu.vector_store %arg11[%swap3A_63], %swap3A_66 {strides = array<i32>} : memref<64xi32, #tpu.memory_space<vmem>>, vector<16xi32>,
      %add3A_67 = arith.constant 48 : i32
      %add3A_68 = arith.addi %add3A, %add3A_67 : i32
      %add3A_69 = vector.broadcast %add3A_68 : i32 to vector<16xi32>
      %add3A_70 = arith.addi %add3A_69, %iota3A : vector<16xi32>
      %swap3A_71 = arith.constant 48 : index
      %swap3A_72 = tpu.vector_load %arg11[%swap3A_71] {strides = array<i32>} : memref<64xi32, #tpu.memory_space<vmem>>, vector<16xi32>,
      %swap3A_73 = vector.shape_cast %swap3A_72 : vector<16xi32> to vector<16xi32>
      %swap3A_74 = vector.shape_cast %add3A_70 : vector<16xi32> to vector<16xi32>
      tpu.vector_store %arg11[%swap3A_71], %swap3A_74 {strides = array<i32>} : memref<64xi32, #tpu.memory_space<vmem>>, vector<16xi32>,
      "tpu.region"() ({
        %run_scoped3A = tpu.sem_alloc : memref<!tpu.dma_semaphore, #tpu.memory_space<semaphore_mem>>
        %dma_start3A = arith.constant 0 : i32
        %dma_start3A_75 = arith.constant 0 : i32
        %dma_start3A_76 = tpu.memref_slice %arg17[%dma_start3A, %dma_start3A_75] : memref<5128x128xf32, #tpu.memory_space<vmem_shared>> -> memref<5128x128xf32, #tpu.memory_space<vmem_shared>>
        tpu.enqueue_indirect_dma source(%arg12 : memref<64x128xf32, #tpu.memory_space<vmem>>) target(%dma_start3A_76 : memref<5128x128xf32, #tpu.memory_space<vmem_shared>>) offsets(%arg11 : memref<64xi32, #tpu.memory_space<vmem>>) semaphore(%run_scoped3A : memref<!tpu.dma_semaphore, #tpu.memory_space<semaphore_mem>>)
        %dma_wait3A = arith.constant 0 : i32
        %dma_wait3A_77 = arith.constant 0 : i32
        %dma_wait3A_78 = tpu.memref_slice %arg17[%dma_wait3A, %dma_wait3A_77] : memref<5128x128xf32, #tpu.memory_space<vmem_shared>> -> memref<5128x128xf32, #tpu.memory_space<vmem_shared>>
        tpu.wait_indirect_dma semaphore(%run_scoped3A : memref<!tpu.dma_semaphore, #tpu.memory_space<semaphore_mem>>) src(%arg12 : memref<64x128xf32, #tpu.memory_space<vmem>>) dst(%dma_wait3A_78 : memref<5128x128xf32, #tpu.memory_space<vmem_shared>>)
        tpu.yield
      }) : () -> ()
    }
    %scan3A_7 = arith.constant 5 : i32
    %barrier3A = arith.constant 0 : index
    tpu.barrier barrier_id(%barrier3A)
    %scan3A_8 = arith.constant 0 : i32
    %scan3A_9 = arith.constant 0 : i32
    %scan3A_10 = arith.constant 250 : i32
    %scan3A_11 = arith.addi %scan3A_9, %scan3A_10 : i32
    %scan3A_12 = arith.constant 1 : i32
    scf.for %scan3A_41 = %scan3A_9 to %scan3A_11 step %scan3A_12  : i32 {
      %mul3A_42 = arith.constant 20000 : i32
      %mul3A_43 = arith.muli %arg1, %mul3A_42 : i32
      %mul3A_44 = arith.constant 80 : i32
      %mul3A_45 = arith.muli %scan3A_41, %mul3A_44 : i32
      %add3A = arith.addi %mul3A_43, %mul3A_45 : i32
      %dma_start3A = tpu.memref_slice %arg4[%add3A] : memref<320000xi32, #tpu.memory_space<hbm>> -> memref<80xi32, #tpu.memory_space<hbm>>
      %dma_start3A_46 = tpu.memref_slice %arg4[%add3A] : memref<320000xi32, #tpu.memory_space<hbm>> -> memref<80xi32, #tpu.memory_space<hbm>>
      tpu.enqueue_dma source(%dma_start3A_46 : memref<80xi32, #tpu.memory_space<hbm>>) target(%arg8 : memref<80xi32, #tpu.memory_space<vmem>>) target_semaphore(%arg15 : memref<!tpu.dma_semaphore, #tpu.memory_space<semaphore_mem>>)
      %dma_start3A_47 = arith.constant 0 : i32
      %dma_start3A_48 = tpu.memref_slice %arg2[%add3A, %dma_start3A_47] : memref<320000x128xf32, #tpu.memory_space<hbm>> -> memref<80x128xf32, #tpu.memory_space<hbm>>
      %dma_start3A_49 = arith.constant 0 : i32
      %dma_start3A_50 = tpu.memref_slice %arg2[%add3A, %dma_start3A_49] : memref<320000x128xf32, #tpu.memory_space<hbm>> -> memref<80x128xf32, #tpu.memory_space<hbm>>
      tpu.enqueue_dma source(%dma_start3A_50 : memref<80x128xf32, #tpu.memory_space<hbm>>) target(%arg10 : memref<80x128xf32, #tpu.memory_space<vmem>>) target_semaphore(%arg16 : memref<!tpu.dma_semaphore, #tpu.memory_space<semaphore_mem>>)
      %dma_wait3A = tpu.memref_slice %arg4[%add3A] : memref<320000xi32, #tpu.memory_space<hbm>> -> memref<80xi32, #tpu.memory_space<hbm>>
      %dma_wait3A_51 = tpu.memref_slice %arg4[%add3A] : memref<320000xi32, #tpu.memory_space<hbm>> -> memref<80xi32, #tpu.memory_space<hbm>>
      tpu.wait_dma2 semaphore(%arg15 : memref<!tpu.dma_semaphore, #tpu.memory_space<semaphore_mem>>) src(%dma_wait3A_51 : memref<80xi32, #tpu.memory_space<hbm>>) dst(%arg8 : memref<80xi32, #tpu.memory_space<vmem>>)
      %get3A = arith.constant 0 : index
      %get3A_52 = tpu.vector_load %arg8[%get3A] {strides = array<i32>} : memref<80xi32, #tpu.memory_space<vmem>>, vector<16xi32>,
      %get3A_53 = vector.shape_cast %get3A_52 : vector<16xi32> to vector<16xi32>
      %sub3A = vector.broadcast %mul3A_2 : i32 to vector<16xi32>
      %sub3A_54 = arith.subi %get3A_53, %sub3A : vector<16xi32>
      %ge3A = arith.constant 0 : i32
      %ge3A_55 = vector.broadcast %ge3A : i32 to vector<16xi32>
      %ge3A_56 = arith.cmpi sge, %sub3A_54, %ge3A_55 : vector<16xi32>
      %lt3A = arith.constant 5120 : i32
      %lt3A_57 = vector.broadcast %lt3A : i32 to vector<16xi32>
      %lt3A_58 = arith.cmpi slt, %sub3A_54, %lt3A_57 : vector<16xi32>
      %and3A = arith.andi %ge3A_56, %lt3A_58 : vector<16xi1>
      %jit3A = arith.constant 5120 : i32
      %broadcast_in_dim3A = vector.broadcast %jit3A : i32 to vector<16xi32>
      %select_n3A = arith.select %and3A, %sub3A_54, %broadcast_in_dim3A : vector<16xi1>, vector<16xi32>
      %swap3A = arith.constant 0 : index
      %swap3A_59 = tpu.vector_load %arg9[%swap3A] {strides = array<i32>} : memref<80xi32, #tpu.memory_space<vmem>>, vector<16xi32>,
      %swap3A_60 = vector.shape_cast %swap3A_59 : vector<16xi32> to vector<16xi32>
      %swap3A_61 = vector.shape_cast %select_n3A : vector<16xi32> to vector<16xi32>
      tpu.vector_store %arg9[%swap3A], %swap3A_61 {strides = array<i32>} : memref<80xi32, #tpu.memory_space<vmem>>, vector<16xi32>,
      %get3A_62 = arith.constant 16 : index
      %get3A_63 = tpu.vector_load %arg8[%get3A_62] {strides = array<i32>} : memref<80xi32, #tpu.memory_space<vmem>>, vector<16xi32>,
      %get3A_64 = vector.shape_cast %get3A_63 : vector<16xi32> to vector<16xi32>
      %sub3A_65 = vector.broadcast %mul3A_2 : i32 to vector<16xi32>
      %sub3A_66 = arith.subi %get3A_64, %sub3A_65 : vector<16xi32>
      %ge3A_67 = arith.constant 0 : i32
      %ge3A_68 = vector.broadcast %ge3A_67 : i32 to vector<16xi32>
      %ge3A_69 = arith.cmpi sge, %sub3A_66, %ge3A_68 : vector<16xi32>
      %lt3A_70 = arith.constant 5120 : i32
      %lt3A_71 = vector.broadcast %lt3A_70 : i32 to vector<16xi32>
      %lt3A_72 = arith.cmpi slt, %sub3A_66, %lt3A_71 : vector<16xi32>
      %and3A_73 = arith.andi %ge3A_69, %lt3A_72 : vector<16xi1>
      %jit3A_74 = arith.constant 5120 : i32
      %broadcast_in_dim3A_75 = vector.broadcast %jit3A_74 : i32 to vector<16xi32>
      %select_n3A_76 = arith.select %and3A_73, %sub3A_66, %broadcast_in_dim3A_75 : vector<16xi1>, vector<16xi32>
      %swap3A_77 = arith.constant 16 : index
      %swap3A_78 = tpu.vector_load %arg9[%swap3A_77] {strides = array<i32>} : memref<80xi32, #tpu.memory_space<vmem>>, vector<16xi32>,
      %swap3A_79 = vector.shape_cast %swap3A_78 : vector<16xi32> to vector<16xi32>
      %swap3A_80 = vector.shape_cast %select_n3A_76 : vector<16xi32> to vector<16xi32>
      tpu.vector_store %arg9[%swap3A_77], %swap3A_80 {strides = array<i32>} : memref<80xi32, #tpu.memory_space<vmem>>, vector<16xi32>,
      %get3A_81 = arith.constant 32 : index
      %get3A_82 = tpu.vector_load %arg8[%get3A_81] {strides = array<i32>} : memref<80xi32, #tpu.memory_space<vmem>>, vector<16xi32>,
      %get3A_83 = vector.shape_cast %get3A_82 : vector<16xi32> to vector<16xi32>
      %sub3A_84 = vector.broadcast %mul3A_2 : i32 to vector<16xi32>
      %sub3A_85 = arith.subi %get3A_83, %sub3A_84 : vector<16xi32>
      %ge3A_86 = arith.constant 0 : i32
      %ge3A_87 = vector.broadcast %ge3A_86 : i32 to vector<16xi32>
      %ge3A_88 = arith.cmpi sge, %sub3A_85, %ge3A_87 : vector<16xi32>
      %lt3A_89 = arith.constant 5120 : i32
      %lt3A_90 = vector.broadcast %lt3A_89 : i32 to vector<16xi32>
      %lt3A_91 = arith.cmpi slt, %sub3A_85, %lt3A_90 : vector<16xi32>
      %and3A_92 = arith.andi %ge3A_88, %lt3A_91 : vector<16xi1>
      %jit3A_93 = arith.constant 5120 : i32
      %broadcast_in_dim3A_94 = vector.broadcast %jit3A_93 : i32 to vector<16xi32>
      %select_n3A_95 = arith.select %and3A_92, %sub3A_85, %broadcast_in_dim3A_94 : vector<16xi1>, vector<16xi32>
      %swap3A_96 = arith.constant 32 : index
      %swap3A_97 = tpu.vector_load %arg9[%swap3A_96] {strides = array<i32>} : memref<80xi32, #tpu.memory_space<vmem>>, vector<16xi32>,
      %swap3A_98 = vector.shape_cast %swap3A_97 : vector<16xi32> to vector<16xi32>
      %swap3A_99 = vector.shape_cast %select_n3A_95 : vector<16xi32> to vector<16xi32>
      tpu.vector_store %arg9[%swap3A_96], %swap3A_99 {strides = array<i32>} : memref<80xi32, #tpu.memory_space<vmem>>, vector<16xi32>,
      %get3A_100 = arith.constant 48 : index
      %get3A_101 = tpu.vector_load %arg8[%get3A_100] {strides = array<i32>} : memref<80xi32, #tpu.memory_space<vmem>>, vector<16xi32>,
      %get3A_102 = vector.shape_cast %get3A_101 : vector<16xi32> to vector<16xi32>
      %sub3A_103 = vector.broadcast %mul3A_2 : i32 to vector<16xi32>
      %sub3A_104 = arith.subi %get3A_102, %sub3A_103 : vector<16xi32>
      %ge3A_105 = arith.constant 0 : i32
      %ge3A_106 = vector.broadcast %ge3A_105 : i32 to vector<16xi32>
      %ge3A_107 = arith.cmpi sge, %sub3A_104, %ge3A_106 : vector<16xi32>
      %lt3A_108 = arith.constant 5120 : i32
      %lt3A_109 = vector.broadcast %lt3A_108 : i32 to vector<16xi32>
      %lt3A_110 = arith.cmpi slt, %sub3A_104, %lt3A_109 : vector<16xi32>
      %and3A_111 = arith.andi %ge3A_107, %lt3A_110 : vector<16xi1>
      %jit3A_112 = arith.constant 5120 : i32
      %broadcast_in_dim3A_113 = vector.broadcast %jit3A_112 : i32 to vector<16xi32>
      %select_n3A_114 = arith.select %and3A_111, %sub3A_104, %broadcast_in_dim3A_113 : vector<16xi1>, vector<16xi32>
      %swap3A_115 = arith.constant 48 : index
      %swap3A_116 = tpu.vector_load %arg9[%swap3A_115] {strides = array<i32>} : memref<80xi32, #tpu.memory_space<vmem>>, vector<16xi32>,
      %swap3A_117 = vector.shape_cast %swap3A_116 : vector<16xi32> to vector<16xi32>
      %swap3A_118 = vector.shape_cast %select_n3A_114 : vector<16xi32> to vector<16xi32>
      tpu.vector_store %arg9[%swap3A_115], %swap3A_118 {strides = array<i32>} : memref<80xi32, #tpu.memory_space<vmem>>, vector<16xi32>,
      %get3A_119 = arith.constant 64 : index
      %get3A_120 = tpu.vector_load %arg8[%get3A_119] {strides = array<i32>} : memref<80xi32, #tpu.memory_space<vmem>>, vector<16xi32>,
      %get3A_121 = vector.shape_cast %get3A_120 : vector<16xi32> to vector<16xi32>
      %sub3A_122 = vector.broadcast %mul3A_2 : i32 to vector<16xi32>
      %sub3A_123 = arith.subi %get3A_121, %sub3A_122 : vector<16xi32>
      %ge3A_124 = arith.constant 0 : i32
      %ge3A_125 = vector.broadcast %ge3A_124 : i32 to vector<16xi32>
      %ge3A_126 = arith.cmpi sge, %sub3A_123, %ge3A_125 : vector<16xi32>
      %lt3A_127 = arith.constant 5120 : i32
      %lt3A_128 = vector.broadcast %lt3A_127 : i32 to vector<16xi32>
      %lt3A_129 = arith.cmpi slt, %sub3A_123, %lt3A_128 : vector<16xi32>
      %and3A_130 = arith.andi %ge3A_126, %lt3A_129 : vector<16xi1>
      %jit3A_131 = arith.constant 5120 : i32
      %broadcast_in_dim3A_132 = vector.broadcast %jit3A_131 : i32 to vector<16xi32>
      %select_n3A_133 = arith.select %and3A_130, %sub3A_123, %broadcast_in_dim3A_132 : vector<16xi1>, vector<16xi32>
      %swap3A_134 = arith.constant 64 : index
      %swap3A_135 = tpu.vector_load %arg9[%swap3A_134] {strides = array<i32>} : memref<80xi32, #tpu.memory_space<vmem>>, vector<16xi32>,
      %swap3A_136 = vector.shape_cast %swap3A_135 : vector<16xi32> to vector<16xi32>
      %swap3A_137 = vector.shape_cast %select_n3A_133 : vector<16xi32> to vector<16xi32>
      tpu.vector_store %arg9[%swap3A_134], %swap3A_137 {strides = array<i32>} : memref<80xi32, #tpu.memory_space<vmem>>, vector<16xi32>,
      %dma_wait3A_138 = arith.constant 0 : i32
      %dma_wait3A_139 = tpu.memref_slice %arg2[%add3A, %dma_wait3A_138] : memref<320000x128xf32, #tpu.memory_space<hbm>> -> memref<80x128xf32, #tpu.memory_space<hbm>>
      %dma_wait3A_140 = arith.constant 0 : i32
      %dma_wait3A_141 = tpu.memref_slice %arg2[%add3A, %dma_wait3A_140] : memref<320000x128xf32, #tpu.memory_space<hbm>> -> memref<80x128xf32, #tpu.memory_space<hbm>>
      tpu.wait_dma2 semaphore(%arg16 : memref<!tpu.dma_semaphore, #tpu.memory_space<semaphore_mem>>) src(%dma_wait3A_141 : memref<80x128xf32, #tpu.memory_space<hbm>>) dst(%arg10 : memref<80x128xf32, #tpu.memory_space<vmem>>)
      "tpu.region"() ({
        %run_scoped3A = tpu.sem_alloc : memref<!tpu.dma_semaphore, #tpu.memory_space<semaphore_mem>>
        %dma_start3A_142 = arith.constant 0 : i32
        %dma_start3A_143 = arith.constant 0 : i32
        %dma_start3A_144 = tpu.memref_slice %arg17[%dma_start3A_142, %dma_start3A_143] : memref<5128x128xf32, #tpu.memory_space<vmem_shared>> -> memref<5128x128xf32, #tpu.memory_space<vmem_shared>>
        tpu.enqueue_indirect_dma source(%arg10 : memref<80x128xf32, #tpu.memory_space<vmem>>) target(%dma_start3A_144 : memref<5128x128xf32, #tpu.memory_space<vmem_shared>>) offsets(%arg9 : memref<80xi32, #tpu.memory_space<vmem>>) semaphore(%run_scoped3A : memref<!tpu.dma_semaphore, #tpu.memory_space<semaphore_mem>>) {add = true}
        %dma_wait3A_145 = arith.constant 0 : i32
        %dma_wait3A_146 = arith.constant 0 : i32
        %dma_wait3A_147 = tpu.memref_slice %arg17[%dma_wait3A_145, %dma_wait3A_146] : memref<5128x128xf32, #tpu.memory_space<vmem_shared>> -> memref<5128x128xf32, #tpu.memory_space<vmem_shared>>
        tpu.wait_indirect_dma semaphore(%run_scoped3A : memref<!tpu.dma_semaphore, #tpu.memory_space<semaphore_mem>>) src(%arg10 : memref<80x128xf32, #tpu.memory_space<vmem>>) dst(%dma_wait3A_147 : memref<5128x128xf32, #tpu.memory_space<vmem_shared>>)
        tpu.yield
      }) : () -> ()
    }
    %scan3A_13 = arith.constant 250 : i32
    %barrier3A_14 = arith.constant 0 : index
    tpu.barrier barrier_id(%barrier3A_14)
    %scan3A_15 = arith.constant 0 : i32
    %scan3A_16 = arith.constant 0 : i32
    %scan3A_17 = arith.constant 5 : i32
    %scan3A_18 = arith.addi %scan3A_16, %scan3A_17 : i32
    %scan3A_19 = arith.constant 1 : i32
    scf.for %scan3A_41 = %scan3A_16 to %scan3A_18 step %scan3A_19  : i32 {
      %mul3A_42 = arith.constant 64 : i32
      %mul3A_43 = arith.muli %scan3A_41, %mul3A_42 : i32
      %add3A = arith.addi %mul3A_0, %mul3A_43 : i32
      %add3A_44 = arith.constant 0 : i32
      %add3A_45 = arith.addi %add3A, %add3A_44 : i32
      %add3A_46 = vector.broadcast %add3A_45 : i32 to vector<16xi32>
      %add3A_47 = arith.addi %add3A_46, %iota3A : vector<16xi32>
      %swap3A = arith.constant 0 : index
      %swap3A_48 = tpu.vector_load %arg11[%swap3A] {strides = array<i32>} : memref<64xi32, #tpu.memory_space<vmem>>, vector<16xi32>,
      %swap3A_49 = vector.shape_cast %swap3A_48 : vector<16xi32> to vector<16xi32>
      %swap3A_50 = vector.shape_cast %add3A_47 : vector<16xi32> to vector<16xi32>
      tpu.vector_store %arg11[%swap3A], %swap3A_50 {strides = array<i32>} : memref<64xi32, #tpu.memory_space<vmem>>, vector<16xi32>,
      %add3A_51 = arith.constant 16 : i32
      %add3A_52 = arith.addi %add3A, %add3A_51 : i32
      %add3A_53 = vector.broadcast %add3A_52 : i32 to vector<16xi32>
      %add3A_54 = arith.addi %add3A_53, %iota3A : vector<16xi32>
      %swap3A_55 = arith.constant 16 : index
      %swap3A_56 = tpu.vector_load %arg11[%swap3A_55] {strides = array<i32>} : memref<64xi32, #tpu.memory_space<vmem>>, vector<16xi32>,
      %swap3A_57 = vector.shape_cast %swap3A_56 : vector<16xi32> to vector<16xi32>
      %swap3A_58 = vector.shape_cast %add3A_54 : vector<16xi32> to vector<16xi32>
      tpu.vector_store %arg11[%swap3A_55], %swap3A_58 {strides = array<i32>} : memref<64xi32, #tpu.memory_space<vmem>>, vector<16xi32>,
      %add3A_59 = arith.constant 32 : i32
      %add3A_60 = arith.addi %add3A, %add3A_59 : i32
      %add3A_61 = vector.broadcast %add3A_60 : i32 to vector<16xi32>
      %add3A_62 = arith.addi %add3A_61, %iota3A : vector<16xi32>
      %swap3A_63 = arith.constant 32 : index
      %swap3A_64 = tpu.vector_load %arg11[%swap3A_63] {strides = array<i32>} : memref<64xi32, #tpu.memory_space<vmem>>, vector<16xi32>,
      %swap3A_65 = vector.shape_cast %swap3A_64 : vector<16xi32> to vector<16xi32>
      %swap3A_66 = vector.shape_cast %add3A_62 : vector<16xi32> to vector<16xi32>
      tpu.vector_store %arg11[%swap3A_63], %swap3A_66 {strides = array<i32>} : memref<64xi32, #tpu.memory_space<vmem>>, vector<16xi32>,
      %add3A_67 = arith.constant 48 : i32
      %add3A_68 = arith.addi %add3A, %add3A_67 : i32
      %add3A_69 = vector.broadcast %add3A_68 : i32 to vector<16xi32>
      %add3A_70 = arith.addi %add3A_69, %iota3A : vector<16xi32>
      %swap3A_71 = arith.constant 48 : index
      %swap3A_72 = tpu.vector_load %arg11[%swap3A_71] {strides = array<i32>} : memref<64xi32, #tpu.memory_space<vmem>>, vector<16xi32>,
      %swap3A_73 = vector.shape_cast %swap3A_72 : vector<16xi32> to vector<16xi32>
      %swap3A_74 = vector.shape_cast %add3A_70 : vector<16xi32> to vector<16xi32>
      tpu.vector_store %arg11[%swap3A_71], %swap3A_74 {strides = array<i32>} : memref<64xi32, #tpu.memory_space<vmem>>, vector<16xi32>,
      %dma_start3A = arith.constant 0 : i32
      %dma_start3A_75 = arith.constant 0 : i32
      %dma_start3A_76 = tpu.memref_slice %arg17[%dma_start3A, %dma_start3A_75] : memref<5128x128xf32, #tpu.memory_space<vmem_shared>> -> memref<5128x128xf32, #tpu.memory_space<vmem_shared>>
      tpu.enqueue_indirect_dma source(%dma_start3A_76 : memref<5128x128xf32, #tpu.memory_space<vmem_shared>>) target(%arg13 : memref<64x128xf32, #tpu.memory_space<vmem>>) offsets(%arg11 : memref<64xi32, #tpu.memory_space<vmem>>) semaphore(%arg14 : memref<!tpu.dma_semaphore, #tpu.memory_space<semaphore_mem>>)
      %dma_wait3A = arith.constant 0 : i32
      %dma_wait3A_77 = arith.constant 0 : i32
      %dma_wait3A_78 = tpu.memref_slice %arg17[%dma_wait3A, %dma_wait3A_77] : memref<5128x128xf32, #tpu.memory_space<vmem_shared>> -> memref<5128x128xf32, #tpu.memory_space<vmem_shared>>
      tpu.wait_indirect_dma semaphore(%arg14 : memref<!tpu.dma_semaphore, #tpu.memory_space<semaphore_mem>>) src(%dma_wait3A_78 : memref<5128x128xf32, #tpu.memory_space<vmem_shared>>) dst(%arg13 : memref<64x128xf32, #tpu.memory_space<vmem>>)
      %mul3A_79 = arith.constant 64 : i32
      %mul3A_80 = arith.muli %scan3A_41, %mul3A_79 : i32
      %add3A_81 = arith.addi %mul3A_0, %mul3A_80 : i32
      "tpu.region"() ({
        %run_scoped3A = tpu.sem_alloc : memref<!tpu.dma_semaphore, #tpu.memory_space<semaphore_mem>>
        %dma_start3A_82 = arith.constant 0 : i32
        %dma_start3A_83 = tpu.memref_slice %arg6[%arg0, %add3A_81, %dma_start3A_82] : memref<2x5120x128xf32, #tpu.memory_space<hbm>> -> memref<1x64x128xf32, #tpu.memory_space<hbm>>
        %dma_start3A_84 = tpu.memref_squeeze %dma_start3A_83 : memref<1x64x128xf32, #tpu.memory_space<hbm>> -> memref<64x128xf32, #tpu.memory_space<hbm>>
        %dma_start3A_85 = arith.constant 0 : i32
        %dma_start3A_86 = tpu.memref_slice %arg6[%arg0, %add3A_81, %dma_start3A_85] : memref<2x5120x128xf32, #tpu.memory_space<hbm>> -> memref<1x64x128xf32, #tpu.memory_space<hbm>>
        %dma_start3A_87 = tpu.memref_squeeze %dma_start3A_86 : memref<1x64x128xf32, #tpu.memory_space<hbm>> -> memref<64x128xf32, #tpu.memory_space<hbm>>
        tpu.enqueue_dma source(%arg13 : memref<64x128xf32, #tpu.memory_space<vmem>>) target(%dma_start3A_87 : memref<64x128xf32, #tpu.memory_space<hbm>>) target_semaphore(%run_scoped3A : memref<!tpu.dma_semaphore, #tpu.memory_space<semaphore_mem>>)
        %dma_wait3A_88 = arith.constant 0 : i32
        %dma_wait3A_89 = tpu.memref_slice %arg6[%arg0, %add3A_81, %dma_wait3A_88] : memref<2x5120x128xf32, #tpu.memory_space<hbm>> -> memref<1x64x128xf32, #tpu.memory_space<hbm>>
        %dma_wait3A_90 = tpu.memref_squeeze %dma_wait3A_89 : memref<1x64x128xf32, #tpu.memory_space<hbm>> -> memref<64x128xf32, #tpu.memory_space<hbm>>
        %dma_wait3A_91 = arith.constant 0 : i32
        %dma_wait3A_92 = tpu.memref_slice %arg6[%arg0, %add3A_81, %dma_wait3A_91] : memref<2x5120x128xf32, #tpu.memory_space<hbm>> -> memref<1x64x128xf32, #tpu.memory_space<hbm>>
        %dma_wait3A_93 = tpu.memref_squeeze %dma_wait3A_92 : memref<1x64x128xf32, #tpu.memory_space<hbm>> -> memref<64x128xf32, #tpu.memory_space<hbm>>
        tpu.wait_dma2 semaphore(%run_scoped3A : memref<!tpu.dma_semaphore, #tpu.memory_space<semaphore_mem>>) src(%arg13 : memref<64x128xf32, #tpu.memory_space<vmem>>) dst(%dma_wait3A_93 : memref<64x128xf32, #tpu.memory_space<hbm>>)
        tpu.yield
      }) : () -> ()
    }
    %scan3A_20 = arith.constant 5 : i32
    %scan3A_21 = arith.constant 0 : i32
    %scan3A_22 = arith.constant 0 : i32
    %scan3A_23 = arith.constant 5 : i32
    %scan3A_24 = arith.addi %scan3A_22, %scan3A_23 : i32
    %scan3A_25 = arith.constant 1 : i32
    scf.for %scan3A_41 = %scan3A_22 to %scan3A_24 step %scan3A_25  : i32 {
      %mul3A_42 = arith.constant 64 : i32
      %mul3A_43 = arith.muli %scan3A_41, %mul3A_42 : i32
      %add3A = arith.addi %mul3A_0, %mul3A_43 : i32
      %add3A_44 = arith.constant 0 : i32
      %add3A_45 = arith.addi %add3A, %add3A_44 : i32
      %add3A_46 = vector.broadcast %add3A_45 : i32 to vector<16xi32>
      %add3A_47 = arith.addi %add3A_46, %iota3A : vector<16xi32>
      %swap3A = arith.constant 0 : index
      %swap3A_48 = tpu.vector_load %arg11[%swap3A] {strides = array<i32>} : memref<64xi32, #tpu.memory_space<vmem>>, vector<16xi32>,
      %swap3A_49 = vector.shape_cast %swap3A_48 : vector<16xi32> to vector<16xi32>
      %swap3A_50 = vector.shape_cast %add3A_47 : vector<16xi32> to vector<16xi32>
      tpu.vector_store %arg11[%swap3A], %swap3A_50 {strides = array<i32>} : memref<64xi32, #tpu.memory_space<vmem>>, vector<16xi32>,
      %add3A_51 = arith.constant 16 : i32
      %add3A_52 = arith.addi %add3A, %add3A_51 : i32
      %add3A_53 = vector.broadcast %add3A_52 : i32 to vector<16xi32>
      %add3A_54 = arith.addi %add3A_53, %iota3A : vector<16xi32>
      %swap3A_55 = arith.constant 16 : index
      %swap3A_56 = tpu.vector_load %arg11[%swap3A_55] {strides = array<i32>} : memref<64xi32, #tpu.memory_space<vmem>>, vector<16xi32>,
      %swap3A_57 = vector.shape_cast %swap3A_56 : vector<16xi32> to vector<16xi32>
      %swap3A_58 = vector.shape_cast %add3A_54 : vector<16xi32> to vector<16xi32>
      tpu.vector_store %arg11[%swap3A_55], %swap3A_58 {strides = array<i32>} : memref<64xi32, #tpu.memory_space<vmem>>, vector<16xi32>,
      %add3A_59 = arith.constant 32 : i32
      %add3A_60 = arith.addi %add3A, %add3A_59 : i32
      %add3A_61 = vector.broadcast %add3A_60 : i32 to vector<16xi32>
      %add3A_62 = arith.addi %add3A_61, %iota3A : vector<16xi32>
      %swap3A_63 = arith.constant 32 : index
      %swap3A_64 = tpu.vector_load %arg11[%swap3A_63] {strides = array<i32>} : memref<64xi32, #tpu.memory_space<vmem>>, vector<16xi32>,
      %swap3A_65 = vector.shape_cast %swap3A_64 : vector<16xi32> to vector<16xi32>
      %swap3A_66 = vector.shape_cast %add3A_62 : vector<16xi32> to vector<16xi32>
      tpu.vector_store %arg11[%swap3A_63], %swap3A_66 {strides = array<i32>} : memref<64xi32, #tpu.memory_space<vmem>>, vector<16xi32>,
      %add3A_67 = arith.constant 48 : i32
      %add3A_68 = arith.addi %add3A, %add3A_67 : i32
      %add3A_69 = vector.broadcast %add3A_68 : i32 to vector<16xi32>
      %add3A_70 = arith.addi %add3A_69, %iota3A : vector<16xi32>
      %swap3A_71 = arith.constant 48 : index
      %swap3A_72 = tpu.vector_load %arg11[%swap3A_71] {strides = array<i32>} : memref<64xi32, #tpu.memory_space<vmem>>, vector<16xi32>,
      %swap3A_73 = vector.shape_cast %swap3A_72 : vector<16xi32> to vector<16xi32>
      %swap3A_74 = vector.shape_cast %add3A_70 : vector<16xi32> to vector<16xi32>
      tpu.vector_store %arg11[%swap3A_71], %swap3A_74 {strides = array<i32>} : memref<64xi32, #tpu.memory_space<vmem>>, vector<16xi32>,
      "tpu.region"() ({
        %run_scoped3A = tpu.sem_alloc : memref<!tpu.dma_semaphore, #tpu.memory_space<semaphore_mem>>
        %dma_start3A = arith.constant 0 : i32
        %dma_start3A_75 = arith.constant 0 : i32
        %dma_start3A_76 = tpu.memref_slice %arg17[%dma_start3A, %dma_start3A_75] : memref<5128x128xf32, #tpu.memory_space<vmem_shared>> -> memref<5128x128xf32, #tpu.memory_space<vmem_shared>>
        tpu.enqueue_indirect_dma source(%arg12 : memref<64x128xf32, #tpu.memory_space<vmem>>) target(%dma_start3A_76 : memref<5128x128xf32, #tpu.memory_space<vmem_shared>>) offsets(%arg11 : memref<64xi32, #tpu.memory_space<vmem>>) semaphore(%run_scoped3A : memref<!tpu.dma_semaphore, #tpu.memory_space<semaphore_mem>>)
        %dma_wait3A = arith.constant 0 : i32
        %dma_wait3A_77 = arith.constant 0 : i32
        %dma_wait3A_78 = tpu.memref_slice %arg17[%dma_wait3A, %dma_wait3A_77] : memref<5128x128xf32, #tpu.memory_space<vmem_shared>> -> memref<5128x128xf32, #tpu.memory_space<vmem_shared>>
        tpu.wait_indirect_dma semaphore(%run_scoped3A : memref<!tpu.dma_semaphore, #tpu.memory_space<semaphore_mem>>) src(%arg12 : memref<64x128xf32, #tpu.memory_space<vmem>>) dst(%dma_wait3A_78 : memref<5128x128xf32, #tpu.memory_space<vmem_shared>>)
        tpu.yield
      }) : () -> ()
    }
    %scan3A_26 = arith.constant 5 : i32
    %barrier3A_27 = arith.constant 0 : index
    tpu.barrier barrier_id(%barrier3A_27)
    %scan3A_28 = arith.constant 0 : i32
    %scan3A_29 = arith.constant 0 : i32
    %scan3A_30 = arith.constant 250 : i32
    %scan3A_31 = arith.addi %scan3A_29, %scan3A_30 : i32
    %scan3A_32 = arith.constant 1 : i32
    scf.for %scan3A_41 = %scan3A_29 to %scan3A_31 step %scan3A_32  : i32 {
      %mul3A_42 = arith.constant 20000 : i32
      %mul3A_43 = arith.muli %arg1, %mul3A_42 : i32
      %mul3A_44 = arith.constant 80 : i32
      %mul3A_45 = arith.muli %scan3A_41, %mul3A_44 : i32
      %add3A = arith.addi %mul3A_43, %mul3A_45 : i32
      %dma_start3A = tpu.memref_slice %arg4[%add3A] : memref<320000xi32, #tpu.memory_space<hbm>> -> memref<80xi32, #tpu.memory_space<hbm>>
      %dma_start3A_46 = tpu.memref_slice %arg4[%add3A] : memref<320000xi32, #tpu.memory_space<hbm>> -> memref<80xi32, #tpu.memory_space<hbm>>
      tpu.enqueue_dma source(%dma_start3A_46 : memref<80xi32, #tpu.memory_space<hbm>>) target(%arg8 : memref<80xi32, #tpu.memory_space<vmem>>) target_semaphore(%arg15 : memref<!tpu.dma_semaphore, #tpu.memory_space<semaphore_mem>>)
      %dma_start3A_47 = arith.constant 0 : i32
      %dma_start3A_48 = tpu.memref_slice %arg3[%add3A, %dma_start3A_47] : memref<320000x128xf32, #tpu.memory_space<hbm>> -> memref<80x128xf32, #tpu.memory_space<hbm>>
      %dma_start3A_49 = arith.constant 0 : i32
      %dma_start3A_50 = tpu.memref_slice %arg3[%add3A, %dma_start3A_49] : memref<320000x128xf32, #tpu.memory_space<hbm>> -> memref<80x128xf32, #tpu.memory_space<hbm>>
      tpu.enqueue_dma source(%dma_start3A_50 : memref<80x128xf32, #tpu.memory_space<hbm>>) target(%arg10 : memref<80x128xf32, #tpu.memory_space<vmem>>) target_semaphore(%arg16 : memref<!tpu.dma_semaphore, #tpu.memory_space<semaphore_mem>>)
      %dma_wait3A = tpu.memref_slice %arg4[%add3A] : memref<320000xi32, #tpu.memory_space<hbm>> -> memref<80xi32, #tpu.memory_space<hbm>>
      %dma_wait3A_51 = tpu.memref_slice %arg4[%add3A] : memref<320000xi32, #tpu.memory_space<hbm>> -> memref<80xi32, #tpu.memory_space<hbm>>
      tpu.wait_dma2 semaphore(%arg15 : memref<!tpu.dma_semaphore, #tpu.memory_space<semaphore_mem>>) src(%dma_wait3A_51 : memref<80xi32, #tpu.memory_space<hbm>>) dst(%arg8 : memref<80xi32, #tpu.memory_space<vmem>>)
      %get3A = arith.constant 0 : index
      %get3A_52 = tpu.vector_load %arg8[%get3A] {strides = array<i32>} : memref<80xi32, #tpu.memory_space<vmem>>, vector<16xi32>,
      %get3A_53 = vector.shape_cast %get3A_52 : vector<16xi32> to vector<16xi32>
      %sub3A = vector.broadcast %mul3A_2 : i32 to vector<16xi32>
      %sub3A_54 = arith.subi %get3A_53, %sub3A : vector<16xi32>
      %ge3A = arith.constant 0 : i32
      %ge3A_55 = vector.broadcast %ge3A : i32 to vector<16xi32>
      %ge3A_56 = arith.cmpi sge, %sub3A_54, %ge3A_55 : vector<16xi32>
      %lt3A = arith.constant 5120 : i32
      %lt3A_57 = vector.broadcast %lt3A : i32 to vector<16xi32>
      %lt3A_58 = arith.cmpi slt, %sub3A_54, %lt3A_57 : vector<16xi32>
      %and3A = arith.andi %ge3A_56, %lt3A_58 : vector<16xi1>
      %jit3A = arith.constant 5120 : i32
      %broadcast_in_dim3A = vector.broadcast %jit3A : i32 to vector<16xi32>
      %select_n3A = arith.select %and3A, %sub3A_54, %broadcast_in_dim3A : vector<16xi1>, vector<16xi32>
      %swap3A = arith.constant 0 : index
      %swap3A_59 = tpu.vector_load %arg9[%swap3A] {strides = array<i32>} : memref<80xi32, #tpu.memory_space<vmem>>, vector<16xi32>,
      %swap3A_60 = vector.shape_cast %swap3A_59 : vector<16xi32> to vector<16xi32>
      %swap3A_61 = vector.shape_cast %select_n3A : vector<16xi32> to vector<16xi32>
      tpu.vector_store %arg9[%swap3A], %swap3A_61 {strides = array<i32>} : memref<80xi32, #tpu.memory_space<vmem>>, vector<16xi32>,
      %get3A_62 = arith.constant 16 : index
      %get3A_63 = tpu.vector_load %arg8[%get3A_62] {strides = array<i32>} : memref<80xi32, #tpu.memory_space<vmem>>, vector<16xi32>,
      %get3A_64 = vector.shape_cast %get3A_63 : vector<16xi32> to vector<16xi32>
      %sub3A_65 = vector.broadcast %mul3A_2 : i32 to vector<16xi32>
      %sub3A_66 = arith.subi %get3A_64, %sub3A_65 : vector<16xi32>
      %ge3A_67 = arith.constant 0 : i32
      %ge3A_68 = vector.broadcast %ge3A_67 : i32 to vector<16xi32>
      %ge3A_69 = arith.cmpi sge, %sub3A_66, %ge3A_68 : vector<16xi32>
      %lt3A_70 = arith.constant 5120 : i32
      %lt3A_71 = vector.broadcast %lt3A_70 : i32 to vector<16xi32>
      %lt3A_72 = arith.cmpi slt, %sub3A_66, %lt3A_71 : vector<16xi32>
      %and3A_73 = arith.andi %ge3A_69, %lt3A_72 : vector<16xi1>
      %jit3A_74 = arith.constant 5120 : i32
      %broadcast_in_dim3A_75 = vector.broadcast %jit3A_74 : i32 to vector<16xi32>
      %select_n3A_76 = arith.select %and3A_73, %sub3A_66, %broadcast_in_dim3A_75 : vector<16xi1>, vector<16xi32>
      %swap3A_77 = arith.constant 16 : index
      %swap3A_78 = tpu.vector_load %arg9[%swap3A_77] {strides = array<i32>} : memref<80xi32, #tpu.memory_space<vmem>>, vector<16xi32>,
      %swap3A_79 = vector.shape_cast %swap3A_78 : vector<16xi32> to vector<16xi32>
      %swap3A_80 = vector.shape_cast %select_n3A_76 : vector<16xi32> to vector<16xi32>
      tpu.vector_store %arg9[%swap3A_77], %swap3A_80 {strides = array<i32>} : memref<80xi32, #tpu.memory_space<vmem>>, vector<16xi32>,
      %get3A_81 = arith.constant 32 : index
      %get3A_82 = tpu.vector_load %arg8[%get3A_81] {strides = array<i32>} : memref<80xi32, #tpu.memory_space<vmem>>, vector<16xi32>,
      %get3A_83 = vector.shape_cast %get3A_82 : vector<16xi32> to vector<16xi32>
      %sub3A_84 = vector.broadcast %mul3A_2 : i32 to vector<16xi32>
      %sub3A_85 = arith.subi %get3A_83, %sub3A_84 : vector<16xi32>
      %ge3A_86 = arith.constant 0 : i32
      %ge3A_87 = vector.broadcast %ge3A_86 : i32 to vector<16xi32>
      %ge3A_88 = arith.cmpi sge, %sub3A_85, %ge3A_87 : vector<16xi32>
      %lt3A_89 = arith.constant 5120 : i32
      %lt3A_90 = vector.broadcast %lt3A_89 : i32 to vector<16xi32>
      %lt3A_91 = arith.cmpi slt, %sub3A_85, %lt3A_90 : vector<16xi32>
      %and3A_92 = arith.andi %ge3A_88, %lt3A_91 : vector<16xi1>
      %jit3A_93 = arith.constant 5120 : i32
      %broadcast_in_dim3A_94 = vector.broadcast %jit3A_93 : i32 to vector<16xi32>
      %select_n3A_95 = arith.select %and3A_92, %sub3A_85, %broadcast_in_dim3A_94 : vector<16xi1>, vector<16xi32>
      %swap3A_96 = arith.constant 32 : index
      %swap3A_97 = tpu.vector_load %arg9[%swap3A_96] {strides = array<i32>} : memref<80xi32, #tpu.memory_space<vmem>>, vector<16xi32>,
      %swap3A_98 = vector.shape_cast %swap3A_97 : vector<16xi32> to vector<16xi32>
      %swap3A_99 = vector.shape_cast %select_n3A_95 : vector<16xi32> to vector<16xi32>
      tpu.vector_store %arg9[%swap3A_96], %swap3A_99 {strides = array<i32>} : memref<80xi32, #tpu.memory_space<vmem>>, vector<16xi32>,
      %get3A_100 = arith.constant 48 : index
      %get3A_101 = tpu.vector_load %arg8[%get3A_100] {strides = array<i32>} : memref<80xi32, #tpu.memory_space<vmem>>, vector<16xi32>,
      %get3A_102 = vector.shape_cast %get3A_101 : vector<16xi32> to vector<16xi32>
      %sub3A_103 = vector.broadcast %mul3A_2 : i32 to vector<16xi32>
      %sub3A_104 = arith.subi %get3A_102, %sub3A_103 : vector<16xi32>
      %ge3A_105 = arith.constant 0 : i32
      %ge3A_106 = vector.broadcast %ge3A_105 : i32 to vector<16xi32>
      %ge3A_107 = arith.cmpi sge, %sub3A_104, %ge3A_106 : vector<16xi32>
      %lt3A_108 = arith.constant 5120 : i32
      %lt3A_109 = vector.broadcast %lt3A_108 : i32 to vector<16xi32>
      %lt3A_110 = arith.cmpi slt, %sub3A_104, %lt3A_109 : vector<16xi32>
      %and3A_111 = arith.andi %ge3A_107, %lt3A_110 : vector<16xi1>
      %jit3A_112 = arith.constant 5120 : i32
      %broadcast_in_dim3A_113 = vector.broadcast %jit3A_112 : i32 to vector<16xi32>
      %select_n3A_114 = arith.select %and3A_111, %sub3A_104, %broadcast_in_dim3A_113 : vector<16xi1>, vector<16xi32>
      %swap3A_115 = arith.constant 48 : index
      %swap3A_116 = tpu.vector_load %arg9[%swap3A_115] {strides = array<i32>} : memref<80xi32, #tpu.memory_space<vmem>>, vector<16xi32>,
      %swap3A_117 = vector.shape_cast %swap3A_116 : vector<16xi32> to vector<16xi32>
      %swap3A_118 = vector.shape_cast %select_n3A_114 : vector<16xi32> to vector<16xi32>
      tpu.vector_store %arg9[%swap3A_115], %swap3A_118 {strides = array<i32>} : memref<80xi32, #tpu.memory_space<vmem>>, vector<16xi32>,
      %get3A_119 = arith.constant 64 : index
      %get3A_120 = tpu.vector_load %arg8[%get3A_119] {strides = array<i32>} : memref<80xi32, #tpu.memory_space<vmem>>, vector<16xi32>,
      %get3A_121 = vector.shape_cast %get3A_120 : vector<16xi32> to vector<16xi32>
      %sub3A_122 = vector.broadcast %mul3A_2 : i32 to vector<16xi32>
      %sub3A_123 = arith.subi %get3A_121, %sub3A_122 : vector<16xi32>
      %ge3A_124 = arith.constant 0 : i32
      %ge3A_125 = vector.broadcast %ge3A_124 : i32 to vector<16xi32>
      %ge3A_126 = arith.cmpi sge, %sub3A_123, %ge3A_125 : vector<16xi32>
      %lt3A_127 = arith.constant 5120 : i32
      %lt3A_128 = vector.broadcast %lt3A_127 : i32 to vector<16xi32>
      %lt3A_129 = arith.cmpi slt, %sub3A_123, %lt3A_128 : vector<16xi32>
      %and3A_130 = arith.andi %ge3A_126, %lt3A_129 : vector<16xi1>
      %jit3A_131 = arith.constant 5120 : i32
      %broadcast_in_dim3A_132 = vector.broadcast %jit3A_131 : i32 to vector<16xi32>
      %select_n3A_133 = arith.select %and3A_130, %sub3A_123, %broadcast_in_dim3A_132 : vector<16xi1>, vector<16xi32>
      %swap3A_134 = arith.constant 64 : index
      %swap3A_135 = tpu.vector_load %arg9[%swap3A_134] {strides = array<i32>} : memref<80xi32, #tpu.memory_space<vmem>>, vector<16xi32>,
      %swap3A_136 = vector.shape_cast %swap3A_135 : vector<16xi32> to vector<16xi32>
      %swap3A_137 = vector.shape_cast %select_n3A_133 : vector<16xi32> to vector<16xi32>
      tpu.vector_store %arg9[%swap3A_134], %swap3A_137 {strides = array<i32>} : memref<80xi32, #tpu.memory_space<vmem>>, vector<16xi32>,
      %dma_wait3A_138 = arith.constant 0 : i32
      %dma_wait3A_139 = tpu.memref_slice %arg3[%add3A, %dma_wait3A_138] : memref<320000x128xf32, #tpu.memory_space<hbm>> -> memref<80x128xf32, #tpu.memory_space<hbm>>
      %dma_wait3A_140 = arith.constant 0 : i32
      %dma_wait3A_141 = tpu.memref_slice %arg3[%add3A, %dma_wait3A_140] : memref<320000x128xf32, #tpu.memory_space<hbm>> -> memref<80x128xf32, #tpu.memory_space<hbm>>
      tpu.wait_dma2 semaphore(%arg16 : memref<!tpu.dma_semaphore, #tpu.memory_space<semaphore_mem>>) src(%dma_wait3A_141 : memref<80x128xf32, #tpu.memory_space<hbm>>) dst(%arg10 : memref<80x128xf32, #tpu.memory_space<vmem>>)
      "tpu.region"() ({
        %run_scoped3A = tpu.sem_alloc : memref<!tpu.dma_semaphore, #tpu.memory_space<semaphore_mem>>
        %dma_start3A_142 = arith.constant 0 : i32
        %dma_start3A_143 = arith.constant 0 : i32
        %dma_start3A_144 = tpu.memref_slice %arg17[%dma_start3A_142, %dma_start3A_143] : memref<5128x128xf32, #tpu.memory_space<vmem_shared>> -> memref<5128x128xf32, #tpu.memory_space<vmem_shared>>
        tpu.enqueue_indirect_dma source(%arg10 : memref<80x128xf32, #tpu.memory_space<vmem>>) target(%dma_start3A_144 : memref<5128x128xf32, #tpu.memory_space<vmem_shared>>) offsets(%arg9 : memref<80xi32, #tpu.memory_space<vmem>>) semaphore(%run_scoped3A : memref<!tpu.dma_semaphore, #tpu.memory_space<semaphore_mem>>) {add = true}
        %dma_wait3A_145 = arith.constant 0 : i32
        %dma_wait3A_146 = arith.constant 0 : i32
        %dma_wait3A_147 = tpu.memref_slice %arg17[%dma_wait3A_145, %dma_wait3A_146] : memref<5128x128xf32, #tpu.memory_space<vmem_shared>> -> memref<5128x128xf32, #tpu.memory_space<vmem_shared>>
        tpu.wait_indirect_dma semaphore(%run_scoped3A : memref<!tpu.dma_semaphore, #tpu.memory_space<semaphore_mem>>) src(%arg10 : memref<80x128xf32, #tpu.memory_space<vmem>>) dst(%dma_wait3A_147 : memref<5128x128xf32, #tpu.memory_space<vmem_shared>>)
        tpu.yield
      }) : () -> ()
    }
    %scan3A_33 = arith.constant 250 : i32
    %barrier3A_34 = arith.constant 0 : index
    tpu.barrier barrier_id(%barrier3A_34)
    %scan3A_35 = arith.constant 0 : i32
    %scan3A_36 = arith.constant 0 : i32
    %scan3A_37 = arith.constant 5 : i32
    %scan3A_38 = arith.addi %scan3A_36, %scan3A_37 : i32
    %scan3A_39 = arith.constant 1 : i32
    scf.for %scan3A_41 = %scan3A_36 to %scan3A_38 step %scan3A_39  : i32 {
      %mul3A_42 = arith.constant 64 : i32
      %mul3A_43 = arith.muli %scan3A_41, %mul3A_42 : i32
      %add3A = arith.addi %mul3A_0, %mul3A_43 : i32
      %add3A_44 = arith.constant 0 : i32
      %add3A_45 = arith.addi %add3A, %add3A_44 : i32
      %add3A_46 = vector.broadcast %add3A_45 : i32 to vector<16xi32>
      %add3A_47 = arith.addi %add3A_46, %iota3A : vector<16xi32>
      %swap3A = arith.constant 0 : index
      %swap3A_48 = tpu.vector_load %arg11[%swap3A] {strides = array<i32>} : memref<64xi32, #tpu.memory_space<vmem>>, vector<16xi32>,
      %swap3A_49 = vector.shape_cast %swap3A_48 : vector<16xi32> to vector<16xi32>
      %swap3A_50 = vector.shape_cast %add3A_47 : vector<16xi32> to vector<16xi32>
      tpu.vector_store %arg11[%swap3A], %swap3A_50 {strides = array<i32>} : memref<64xi32, #tpu.memory_space<vmem>>, vector<16xi32>,
      %add3A_51 = arith.constant 16 : i32
      %add3A_52 = arith.addi %add3A, %add3A_51 : i32
      %add3A_53 = vector.broadcast %add3A_52 : i32 to vector<16xi32>
      %add3A_54 = arith.addi %add3A_53, %iota3A : vector<16xi32>
      %swap3A_55 = arith.constant 16 : index
      %swap3A_56 = tpu.vector_load %arg11[%swap3A_55] {strides = array<i32>} : memref<64xi32, #tpu.memory_space<vmem>>, vector<16xi32>,
      %swap3A_57 = vector.shape_cast %swap3A_56 : vector<16xi32> to vector<16xi32>
      %swap3A_58 = vector.shape_cast %add3A_54 : vector<16xi32> to vector<16xi32>
      tpu.vector_store %arg11[%swap3A_55], %swap3A_58 {strides = array<i32>} : memref<64xi32, #tpu.memory_space<vmem>>, vector<16xi32>,
      %add3A_59 = arith.constant 32 : i32
      %add3A_60 = arith.addi %add3A, %add3A_59 : i32
      %add3A_61 = vector.broadcast %add3A_60 : i32 to vector<16xi32>
      %add3A_62 = arith.addi %add3A_61, %iota3A : vector<16xi32>
      %swap3A_63 = arith.constant 32 : index
      %swap3A_64 = tpu.vector_load %arg11[%swap3A_63] {strides = array<i32>} : memref<64xi32, #tpu.memory_space<vmem>>, vector<16xi32>,
      %swap3A_65 = vector.shape_cast %swap3A_64 : vector<16xi32> to vector<16xi32>
      %swap3A_66 = vector.shape_cast %add3A_62 : vector<16xi32> to vector<16xi32>
      tpu.vector_store %arg11[%swap3A_63], %swap3A_66 {strides = array<i32>} : memref<64xi32, #tpu.memory_space<vmem>>, vector<16xi32>,
      %add3A_67 = arith.constant 48 : i32
      %add3A_68 = arith.addi %add3A, %add3A_67 : i32
      %add3A_69 = vector.broadcast %add3A_68 : i32 to vector<16xi32>
      %add3A_70 = arith.addi %add3A_69, %iota3A : vector<16xi32>
      %swap3A_71 = arith.constant 48 : index
      %swap3A_72 = tpu.vector_load %arg11[%swap3A_71] {strides = array<i32>} : memref<64xi32, #tpu.memory_space<vmem>>, vector<16xi32>,
      %swap3A_73 = vector.shape_cast %swap3A_72 : vector<16xi32> to vector<16xi32>
      %swap3A_74 = vector.shape_cast %add3A_70 : vector<16xi32> to vector<16xi32>
      tpu.vector_store %arg11[%swap3A_71], %swap3A_74 {strides = array<i32>} : memref<64xi32, #tpu.memory_space<vmem>>, vector<16xi32>,
      %dma_start3A = arith.constant 0 : i32
      %dma_start3A_75 = arith.constant 0 : i32
      %dma_start3A_76 = tpu.memref_slice %arg17[%dma_start3A, %dma_start3A_75] : memref<5128x128xf32, #tpu.memory_space<vmem_shared>> -> memref<5128x128xf32, #tpu.memory_space<vmem_shared>>
      tpu.enqueue_indirect_dma source(%dma_start3A_76 : memref<5128x128xf32, #tpu.memory_space<vmem_shared>>) target(%arg13 : memref<64x128xf32, #tpu.memory_space<vmem>>) offsets(%arg11 : memref<64xi32, #tpu.memory_space<vmem>>) semaphore(%arg14 : memref<!tpu.dma_semaphore, #tpu.memory_space<semaphore_mem>>)
      %dma_wait3A = arith.constant 0 : i32
      %dma_wait3A_77 = arith.constant 0 : i32
      %dma_wait3A_78 = tpu.memref_slice %arg17[%dma_wait3A, %dma_wait3A_77] : memref<5128x128xf32, #tpu.memory_space<vmem_shared>> -> memref<5128x128xf32, #tpu.memory_space<vmem_shared>>
      tpu.wait_indirect_dma semaphore(%arg14 : memref<!tpu.dma_semaphore, #tpu.memory_space<semaphore_mem>>) src(%dma_wait3A_78 : memref<5128x128xf32, #tpu.memory_space<vmem_shared>>) dst(%arg13 : memref<64x128xf32, #tpu.memory_space<vmem>>)
      %mul3A_79 = arith.constant 64 : i32
      %mul3A_80 = arith.muli %scan3A_41, %mul3A_79 : i32
      %add3A_81 = arith.addi %mul3A_0, %mul3A_80 : i32
      "tpu.region"() ({
        %run_scoped3A = tpu.sem_alloc : memref<!tpu.dma_semaphore, #tpu.memory_space<semaphore_mem>>
        %dma_start3A_82 = arith.constant 0 : i32
        %dma_start3A_83 = tpu.memref_slice %arg7[%arg0, %add3A_81, %dma_start3A_82] : memref<2x5120x128xf32, #tpu.memory_space<hbm>> -> memref<1x64x128xf32, #tpu.memory_space<hbm>>
        %dma_start3A_84 = tpu.memref_squeeze %dma_start3A_83 : memref<1x64x128xf32, #tpu.memory_space<hbm>> -> memref<64x128xf32, #tpu.memory_space<hbm>>
        %dma_start3A_85 = arith.constant 0 : i32
        %dma_start3A_86 = tpu.memref_slice %arg7[%arg0, %add3A_81, %dma_start3A_85] : memref<2x5120x128xf32, #tpu.memory_space<hbm>> -> memref<1x64x128xf32, #tpu.memory_space<hbm>>
        %dma_start3A_87 = tpu.memref_squeeze %dma_start3A_86 : memref<1x64x128xf32, #tpu.memory_space<hbm>> -> memref<64x128xf32, #tpu.memory_space<hbm>>
        tpu.enqueue_dma source(%arg13 : memref<64x128xf32, #tpu.memory_space<vmem>>) target(%dma_start3A_87 : memref<64x128xf32, #tpu.memory_space<hbm>>) target_semaphore(%run_scoped3A : memref<!tpu.dma_semaphore, #tpu.memory_space<semaphore_mem>>)
        %dma_wait3A_88 = arith.constant 0 : i32
        %dma_wait3A_89 = tpu.memref_slice %arg7[%arg0, %add3A_81, %dma_wait3A_88] : memref<2x5120x128xf32, #tpu.memory_space<hbm>> -> memref<1x64x128xf32, #tpu.memory_space<hbm>>
        %dma_wait3A_90 = tpu.memref_squeeze %dma_wait3A_89 : memref<1x64x128xf32, #tpu.memory_space<hbm>> -> memref<64x128xf32, #tpu.memory_space<hbm>>
        %dma_wait3A_91 = arith.constant 0 : i32
        %dma_wait3A_92 = tpu.memref_slice %arg7[%arg0, %add3A_81, %dma_wait3A_91] : memref<2x5120x128xf32, #tpu.memory_space<hbm>> -> memref<1x64x128xf32, #tpu.memory_space<hbm>>
        %dma_wait3A_93 = tpu.memref_squeeze %dma_wait3A_92 : memref<1x64x128xf32, #tpu.memory_space<hbm>> -> memref<64x128xf32, #tpu.memory_space<hbm>>
        tpu.wait_dma2 semaphore(%run_scoped3A : memref<!tpu.dma_semaphore, #tpu.memory_space<semaphore_mem>>) src(%arg13 : memref<64x128xf32, #tpu.memory_space<vmem>>) dst(%dma_wait3A_93 : memref<64x128xf32, #tpu.memory_space<hbm>>)
        tpu.yield
      }) : () -> ()
    }
    %scan3A_40 = arith.constant 5 : i32
    return
  }
}

module attributes {stable_mosaic.version = 14 : i64} {
  func.func @_edge_body(%arg0: i32, %arg1: memref<1000x128xf32, #tpu.memory_space<vmem>>, %arg2: memref<1000x128xf32, #tpu.memory_space<vmem>>, %arg3: memref<1000x128xf32, #tpu.memory_space<vmem>>, %arg4: memref<1000x128xf32, #tpu.memory_space<vmem>>, %arg5: memref<1000x128xf32, #tpu.memory_space<vmem>>) attributes {dimension_semantics = [#tpu.dimension_semantics<arbitrary>], iteration_bounds = array<i64: 320>, scalar_prefetch = 0 : i64, scratch_operands = 0 : i64, tpu.core_type = #tpu.core_type<tc>, window_params = [{transform_indices = @transform_0, window_bounds = array<i64: 1000, 128>}, {transform_indices = @transform_1, window_bounds = array<i64: 1000, 128>}, {transform_indices = @transform_2, window_bounds = array<i64: 1000, 128>}, {transform_indices = @transform_3, window_bounds = array<i64: 1000, 128>}, {transform_indices = @transform_4, window_bounds = array<i64: 1000, 128>}]} {
    %get3A = arith.constant 0 : index
    %get3A_0 = arith.constant 0 : index
    %get3A_1 = vector.load %arg1[%get3A, %get3A_0] : memref<1000x128xf32, #tpu.memory_space<vmem>>, vector<1000x128xf32>
    %get3A_2 = arith.constant 0 : index
    %get3A_3 = arith.constant 0 : index
    %get3A_4 = vector.load %arg2[%get3A_2, %get3A_3] : memref<1000x128xf32, #tpu.memory_space<vmem>>, vector<1000x128xf32>
    %get3A_5 = arith.constant 0 : index
    %get3A_6 = arith.constant 0 : index
    %get3A_7 = vector.load %arg3[%get3A_5, %get3A_6] : memref<1000x128xf32, #tpu.memory_space<vmem>>, vector<1000x128xf32>
    %iota3A = tpu.iota {dimensions = array<i32: 1>} : vector<128x16xi32>
    %iota3A_8 = tpu.iota {dimensions = array<i32: 0>} : vector<128x16xi32>
    %jit3A = arith.constant 16 : i32
    %div3A = vector.broadcast %jit3A : i32 to vector<128x16xi32>
    %div3A_9 = arith.divsi %iota3A_8, %div3A : vector<128x16xi32>
    %sign3A = arith.constant 0 : i32
    %sign3A_10 = vector.broadcast %sign3A : i32 to vector<128x16xi32>
    %sign3A_11 = arith.cmpi sgt, %iota3A_8, %sign3A_10 : vector<128x16xi32>
    %sign3A_12 = arith.extui %sign3A_11 : vector<128x16xi1> to vector<128x16xi32>
    %sign3A_13 = arith.constant 0 : i32
    %sign3A_14 = vector.broadcast %sign3A_13 : i32 to vector<128x16xi32>
    %sign3A_15 = arith.cmpi slt, %iota3A_8, %sign3A_14 : vector<128x16xi32>
    %sign3A_16 = arith.extui %sign3A_15 : vector<128x16xi1> to vector<128x16xi32>
    %sign3A_17 = arith.subi %sign3A_12, %sign3A_16 : vector<128x16xi32>
    %sign3A_18 = arith.constant 0 : i32
    %sign3A_19 = arith.cmpi sgt, %jit3A, %sign3A_18 : i32
    %sign3A_20 = arith.extui %sign3A_19 : i1 to i32
    %sign3A_21 = arith.constant 0 : i32
    %sign3A_22 = arith.cmpi slt, %jit3A, %sign3A_21 : i32
    %sign3A_23 = arith.extui %sign3A_22 : i1 to i32
    %sign3A_24 = arith.subi %sign3A_20, %sign3A_23 : i32
    %ne3A = vector.broadcast %sign3A_24 : i32 to vector<128x16xi32>
    %ne3A_25 = arith.cmpi ne, %sign3A_17, %ne3A : vector<128x16xi32>
    %rem3A = vector.broadcast %jit3A : i32 to vector<128x16xi32>
    %rem3A_26 = arith.remsi %iota3A_8, %rem3A : vector<128x16xi32>
    %ne3A_27 = arith.constant 0 : i32
    %ne3A_28 = vector.broadcast %ne3A_27 : i32 to vector<128x16xi32>
    %ne3A_29 = arith.cmpi ne, %rem3A_26, %ne3A_28 : vector<128x16xi32>
    %and3A = arith.andi %ne3A_25, %ne3A_29 : vector<128x16xi1>
    %sub3A = arith.constant 1 : i32
    %sub3A_30 = vector.broadcast %sub3A : i32 to vector<128x16xi32>
    %sub3A_31 = arith.subi %div3A_9, %sub3A_30 : vector<128x16xi32>
    %select_n3A = arith.select %and3A, %sub3A_31, %div3A_9 : vector<128x16xi1>, vector<128x16xi32>
    %eq3A = arith.cmpi eq, %iota3A, %select_n3A : vector<128x16xi32>
    %convert_element_type3A = arith.extui %eq3A : vector<128x16xi1> to vector<128x16xi32>
    %convert_element_type3A_32 = arith.sitofp %convert_element_type3A : vector<128x16xi32> to vector<128x16xf32>
    %mul3A = arith.mulf %get3A_1, %get3A_4 : vector<1000x128xf32>
    %dot_general3A = arith.constant dense<0.000000e+00> : vector<1000x16xf32>
    %dot_general3A_33 = tpu.matmul %mul3A, %convert_element_type3A_32, %dot_general3A {dimension_numbers = #tpu.dot_dimension_numbers<[1], [0], [0], [1], [0, 0, 1, 1], [], []>, transpose_lhs_hint = false} : vector<1000x128xf32>, vector<128x16xf32>, vector<1000x16xf32> -> vector<1000x16xf32>
    %mul3A_34 = arith.constant 0.00999999977 : f32
    %mul3A_35 = vector.broadcast %mul3A_34 : f32 to vector<1000x16xf32>
    %mul3A_36 = arith.mulf %dot_general3A_33, %mul3A_35 : vector<1000x16xf32>
    %exp3A = math.exp %mul3A_36 : vector<1000x16xf32>
    %dot_general3A_37 = arith.constant dense<0.000000e+00> : vector<1000x128xf32>
    %dot_general3A_38 = tpu.matmul %exp3A, %convert_element_type3A_32, %dot_general3A_37 {dimension_numbers = #tpu.dot_dimension_numbers<[1], [1], [0], [0], [0, 0, 1, 0], [], []>, transpose_lhs_hint = false} : vector<1000x16xf32>, vector<128x16xf32>, vector<1000x128xf32> -> vector<1000x128xf32>
    %mul3A_39 = arith.mulf %dot_general3A_38, %get3A_7 : vector<1000x128xf32>
    %swap3A = arith.constant 0 : index
    %swap3A_40 = arith.constant 0 : index
    %swap3A_41 = vector.load %arg4[%swap3A, %swap3A_40] : memref<1000x128xf32, #tpu.memory_space<vmem>>, vector<1000x128xf32>
    tpu.vector_store %arg4[%swap3A, %swap3A_40], %mul3A_39 {strides = array<i32>} : memref<1000x128xf32, #tpu.memory_space<vmem>>, vector<1000x128xf32>,
    %swap3A_42 = arith.constant 0 : index
    %swap3A_43 = arith.constant 0 : index
    %swap3A_44 = vector.load %arg5[%swap3A_42, %swap3A_43] : memref<1000x128xf32, #tpu.memory_space<vmem>>, vector<1000x128xf32>
    tpu.vector_store %arg5[%swap3A_42, %swap3A_43], %dot_general3A_38 {strides = array<i32>} : memref<1000x128xf32, #tpu.memory_space<vmem>>, vector<1000x128xf32>,
    return
  }
  func.func @transform_0(%arg0: i32) -> (i32, i32) {
    %c0_i32 = arith.constant 0 : i32
    %c0_i32_0 = arith.constant 0 : i32
    return %arg0, %c0_i32 : i32, i32
  }
  func.func @transform_1(%arg0: i32) -> (i32, i32) {
    %c0_i32 = arith.constant 0 : i32
    %c0_i32_0 = arith.constant 0 : i32
    return %arg0, %c0_i32 : i32, i32
  }
  func.func @transform_2(%arg0: i32) -> (i32, i32) {
    %c0_i32 = arith.constant 0 : i32
    %c0_i32_0 = arith.constant 0 : i32
    return %arg0, %c0_i32 : i32, i32
  }
  func.func @transform_3(%arg0: i32) -> (i32, i32) {
    %c0_i32 = arith.constant 0 : i32
    %c0_i32_0 = arith.constant 0 : i32
    return %arg0, %c0_i32 : i32, i32
  }
  func.func @transform_4(%arg0: i32) -> (i32, i32) {
    %c0_i32 = arith.constant 0 : i32
    %c0_i32_0 = arith.constant 0 : i32
    return %arg0, %c0_i32 : i32, i32
  }
}

module attributes {stable_mosaic.version = 14 : i64} {
  func.func @_qkv_body(%arg0: i32, %arg1: memref<1000x128xf32, #tpu.memory_space<vmem>>, %arg2: memref<384x128xf32, #tpu.memory_space<vmem>>, %arg3: memref<1x384xf32, #tpu.memory_space<vmem>>, %arg4: memref<1000x128xf32, #tpu.memory_space<vmem>>, %arg5: memref<1000x128xf32, #tpu.memory_space<vmem>>, %arg6: memref<1000x128xf32, #tpu.memory_space<vmem>>) attributes {dimension_semantics = [#tpu.dimension_semantics<arbitrary>], iteration_bounds = array<i64: 10>, scalar_prefetch = 0 : i64, scratch_operands = 0 : i64, tpu.core_type = #tpu.core_type<tc>, window_params = [{transform_indices = @transform_0, window_bounds = array<i64: 1000, 128>}, {pipeline_mode = #tpu.pipeline_mode<synchronous>, transform_indices = @transform_1, window_bounds = array<i64: 384, 128>}, {pipeline_mode = #tpu.pipeline_mode<synchronous>, transform_indices = @transform_2, window_bounds = array<i64: 1, 384>}, {transform_indices = @transform_3, window_bounds = array<i64: 1000, 128>}, {transform_indices = @transform_4, window_bounds = array<i64: 1000, 128>}, {transform_indices = @transform_5, window_bounds = array<i64: 1000, 128>}]} {
    %get3A = arith.constant 0 : index
    %get3A_0 = arith.constant 0 : index
    %get3A_1 = vector.load %arg1[%get3A, %get3A_0] : memref<1000x128xf32, #tpu.memory_space<vmem>>, vector<1000x128xf32>
    %get3A_2 = arith.constant 0 : index
    %get3A_3 = arith.constant 0 : index
    %get3A_4 = vector.load %arg2[%get3A_2, %get3A_3] : memref<384x128xf32, #tpu.memory_space<vmem>>, vector<384x128xf32>
    %dot_general3A = arith.constant dense<0.000000e+00> : vector<1000x384xf32>
    %dot_general3A_5 = tpu.matmul %get3A_1, %get3A_4, %dot_general3A {dimension_numbers = #tpu.dot_dimension_numbers<[1], [1], [0], [0], [0, 0, 1, 0], [], []>, transpose_lhs_hint = false} : vector<1000x128xf32>, vector<384x128xf32>, vector<1000x384xf32> -> vector<1000x384xf32>
    %get3A_6 = arith.constant 0 : index
    %get3A_7 = arith.constant 0 : index
    %get3A_8 = vector.load %arg3[%get3A_6, %get3A_7] : memref<1x384xf32, #tpu.memory_space<vmem>>, vector<1x384xf32>
    %add3A = vector.broadcast %get3A_8 : vector<1x384xf32> to vector<1000x384xf32>
    %add3A_9 = arith.addf %dot_general3A_5, %add3A : vector<1000x384xf32>
    %slice3A = vector.extract_strided_slice %add3A_9 {offsets = [0, 0], sizes = [1000, 128], strides = [1, 1]} : vector<1000x384xf32> to vector<1000x128xf32>
    %swap3A = arith.constant 0 : index
    %swap3A_10 = arith.constant 0 : index
    %swap3A_11 = vector.load %arg4[%swap3A, %swap3A_10] : memref<1000x128xf32, #tpu.memory_space<vmem>>, vector<1000x128xf32>
    tpu.vector_store %arg4[%swap3A, %swap3A_10], %slice3A {strides = array<i32>} : memref<1000x128xf32, #tpu.memory_space<vmem>>, vector<1000x128xf32>,
    %slice3A_12 = vector.extract_strided_slice %add3A_9 {offsets = [0, 128], sizes = [1000, 128], strides = [1, 1]} : vector<1000x384xf32> to vector<1000x128xf32>
    %swap3A_13 = arith.constant 0 : index
    %swap3A_14 = arith.constant 0 : index
    %swap3A_15 = vector.load %arg5[%swap3A_13, %swap3A_14] : memref<1000x128xf32, #tpu.memory_space<vmem>>, vector<1000x128xf32>
    tpu.vector_store %arg5[%swap3A_13, %swap3A_14], %slice3A_12 {strides = array<i32>} : memref<1000x128xf32, #tpu.memory_space<vmem>>, vector<1000x128xf32>,
    %slice3A_16 = vector.extract_strided_slice %add3A_9 {offsets = [0, 256], sizes = [1000, 128], strides = [1, 1]} : vector<1000x384xf32> to vector<1000x128xf32>
    %swap3A_17 = arith.constant 0 : index
    %swap3A_18 = arith.constant 0 : index
    %swap3A_19 = vector.load %arg6[%swap3A_17, %swap3A_18] : memref<1000x128xf32, #tpu.memory_space<vmem>>, vector<1000x128xf32>
    tpu.vector_store %arg6[%swap3A_17, %swap3A_18], %slice3A_16 {strides = array<i32>} : memref<1000x128xf32, #tpu.memory_space<vmem>>, vector<1000x128xf32>,
    return
  }
  func.func @transform_0(%arg0: i32) -> (i32, i32) {
    %c0_i32 = arith.constant 0 : i32
    %c0_i32_0 = arith.constant 0 : i32
    return %arg0, %c0_i32 : i32, i32
  }
  func.func @transform_1(%arg0: i32) -> (i32, i32) {
    %c0_i32 = arith.constant 0 : i32
    %c0_i32_0 = arith.constant 0 : i32
    %c0_i32_1 = arith.constant 0 : i32
    return %c0_i32, %c0_i32_0 : i32, i32
  }
  func.func @transform_2(%arg0: i32) -> (i32, i32) {
    %c0_i32 = arith.constant 0 : i32
    %c0_i32_0 = arith.constant 0 : i32
    %c0_i32_1 = arith.constant 0 : i32
    return %c0_i32, %c0_i32_0 : i32, i32
  }
  func.func @transform_3(%arg0: i32) -> (i32, i32) {
    %c0_i32 = arith.constant 0 : i32
    %c0_i32_0 = arith.constant 0 : i32
    return %arg0, %c0_i32 : i32, i32
  }
  func.func @transform_4(%arg0: i32) -> (i32, i32) {
    %c0_i32 = arith.constant 0 : i32
    %c0_i32_0 = arith.constant 0 : i32
    return %arg0, %c0_i32 : i32, i32
  }
  func.func @transform_5(%arg0: i32) -> (i32, i32) {
    %c0_i32 = arith.constant 0 : i32
    %c0_i32_0 = arith.constant 0 : i32
    return %arg0, %c0_i32 : i32, i32
  }
}

module attributes {stable_mosaic.version = 14 : i64} {
  func.func @_finish_body(%arg0: i32, %arg1: memref<1000x128xf32, #tpu.memory_space<vmem>>, %arg2: memref<1000x128xf32, #tpu.memory_space<vmem>>, %arg3: memref<128x128xf32, #tpu.memory_space<vmem>>, %arg4: memref<1x128xf32, #tpu.memory_space<vmem>>, %arg5: memref<1000x128xf32, #tpu.memory_space<vmem>>) attributes {dimension_semantics = [#tpu.dimension_semantics<arbitrary>], iteration_bounds = array<i64: 10>, scalar_prefetch = 0 : i64, scratch_operands = 0 : i64, tpu.core_type = #tpu.core_type<tc>, window_params = [{transform_indices = @transform_0, window_bounds = array<i64: 1000, 128>}, {transform_indices = @transform_1, window_bounds = array<i64: 1000, 128>}, {pipeline_mode = #tpu.pipeline_mode<synchronous>, transform_indices = @transform_2, window_bounds = array<i64: 128, 128>}, {pipeline_mode = #tpu.pipeline_mode<synchronous>, transform_indices = @transform_3, window_bounds = array<i64: 1, 128>}, {transform_indices = @transform_4, window_bounds = array<i64: 1000, 128>}]} {
    %get3A = arith.constant 0 : index
    %get3A_0 = arith.constant 0 : index
    %get3A_1 = vector.load %arg1[%get3A, %get3A_0] : memref<1000x128xf32, #tpu.memory_space<vmem>>, vector<1000x128xf32>
    %get3A_2 = arith.constant 0 : index
    %get3A_3 = arith.constant 0 : index
    %get3A_4 = vector.load %arg2[%get3A_2, %get3A_3] : memref<1000x128xf32, #tpu.memory_space<vmem>>, vector<1000x128xf32>
    %add3A = arith.constant 1.000000e-16 : f32
    %add3A_5 = vector.broadcast %add3A : f32 to vector<1000x128xf32>
    %add3A_6 = arith.addf %get3A_4, %add3A_5 : vector<1000x128xf32>
    %div3A = arith.divf %get3A_1, %add3A_6 : vector<1000x128xf32>
    %get3A_7 = arith.constant 0 : index
    %get3A_8 = arith.constant 0 : index
    %get3A_9 = vector.load %arg3[%get3A_7, %get3A_8] : memref<128x128xf32, #tpu.memory_space<vmem>>, vector<128x128xf32>
    %dot_general3A = arith.constant dense<0.000000e+00> : vector<1000x128xf32>
    %dot_general3A_10 = tpu.matmul %div3A, %get3A_9, %dot_general3A {dimension_numbers = #tpu.dot_dimension_numbers<[1], [1], [0], [0], [0, 0, 1, 0], [], []>, transpose_lhs_hint = false} : vector<1000x128xf32>, vector<128x128xf32>, vector<1000x128xf32> -> vector<1000x128xf32>
    %get3A_11 = arith.constant 0 : index
    %get3A_12 = arith.constant 0 : index
    %get3A_13 = vector.load %arg4[%get3A_11, %get3A_12] : memref<1x128xf32, #tpu.memory_space<vmem>>, vector<1x128xf32>
    %add3A_14 = vector.broadcast %get3A_13 : vector<1x128xf32> to vector<1000x128xf32>
    %add3A_15 = arith.addf %dot_general3A_10, %add3A_14 : vector<1000x128xf32>
    %swap3A = arith.constant 0 : index
    %swap3A_16 = arith.constant 0 : index
    %swap3A_17 = vector.load %arg5[%swap3A, %swap3A_16] : memref<1000x128xf32, #tpu.memory_space<vmem>>, vector<1000x128xf32>
    tpu.vector_store %arg5[%swap3A, %swap3A_16], %add3A_15 {strides = array<i32>} : memref<1000x128xf32, #tpu.memory_space<vmem>>, vector<1000x128xf32>,
    return
  }
  func.func @transform_0(%arg0: i32) -> (i32, i32) {
    %c0_i32 = arith.constant 0 : i32
    %c0_i32_0 = arith.constant 0 : i32
    return %arg0, %c0_i32 : i32, i32
  }
  func.func @transform_1(%arg0: i32) -> (i32, i32) {
    %c0_i32 = arith.constant 0 : i32
    %c0_i32_0 = arith.constant 0 : i32
    return %arg0, %c0_i32 : i32, i32
  }
  func.func @transform_2(%arg0: i32) -> (i32, i32) {
    %c0_i32 = arith.constant 0 : i32
    %c0_i32_0 = arith.constant 0 : i32
    %c0_i32_1 = arith.constant 0 : i32
    return %c0_i32, %c0_i32_0 : i32, i32
  }
  func.func @transform_3(%arg0: i32) -> (i32, i32) {
    %c0_i32 = arith.constant 0 : i32
    %c0_i32_0 = arith.constant 0 : i32
    %c0_i32_1 = arith.constant 0 : i32
    return %c0_i32, %c0_i32_0 : i32, i32
  }
  func.func @transform_4(%arg0: i32) -> (i32, i32) {
    %c0_i32 = arith.constant 0 : i32
    %c0_i32_0 = arith.constant 0 : i32
    return %arg0, %c0_i32 : i32, i32
  }
}

</mosaic_0001>

<sc_bundles>
// kernel: kernel.10.cloned.1.call-start
scs
__scs_entry_jumppad:
0x0: {  	(pc) =	sbr.rel $0x88, $3  }
0x1: {  	(tag) =	ssettag $0x0;
	lr =	simm.s32 $0x1  }
0x2: {  	[smem:$0x3F9B] =	sst lr;
	_ =	strace $0xD0000000  }
0x3: {  	_ = 	snop  }
0x4: {  	_ = 	snop  }
0x5: {  	_ = 	snop  }
0x6: {  	_ = 	snop  }
0x7: {  	_ = 	snop  }
__scs_overlays_trampoline_lowered:
0x8: {  	[smem:$0x3FAA] =	sst s0  }
0x9: {  	[smem:$0x3FAB] =	sst s1  }
0xa: {  	[smem:$0x3FAC] =	sst s2  }
0xb: {  	[smem:$0x3FAD] =	sst s3  }
0xc: {  	[smem:$0x3FAE] =	sst s4  }
0xd: {  	[smem:$0x3FAF] =	sst s5  }
0xe: {  	[smem:$0x3FB0] =	sst s6  }
0xf: {  	[smem:$0x3FB1] =	sst s7  }
0x10: {  	[smem:$0x3FB2] =	sst s8  }
0x11: {  	[smem:$0x3FB3] =	sst s9;
	s0 =	simm.s32 @!p0 $0x0  }
0x12: {  	s1 =	sld [smem:$0x3F99];
	s0 =	simm.s32 @p0 $0x1  }
0x13: {  	[smem:$0x3FB4] =	sst s0;
	s0 =	simm.s32 @!p1 $0x0  }
0x14: {  	s2 =	sld [smem:$0x3F98];
	s0 =	simm.s32 @p1 $0x1  }
0x15: {  	[smem:$0x3FB5] =	sst s0;
	s0 =	simm.s32 @!p2 $0x0  }
0x16: {  	s3 =	sld [smem:$0x3FDB];
	s0 =	simm.s32 @p2 $0x1  }
0x17: {  	s4 =	simm.s32 $0x1BF5;
	[smem:$0x3FB7] =	sst s0  }
0x18: {  	s0 =	sld [smem:$0x3F9A];
	_ =	swait.ge [sflag:s4], $0x0  }
0x19: {  	s7 =	sld [smem:$0x3F9B]  }
0x1a: {  	s8 =	sadd.s32 $0xFFFFE003, lr  }
0x1b: {  	s9 =	sadd.s32 $0xFFFFFEF7, lr;
	s5 =	simm.s32 $0xFFFFFFFF;
	p2 =	slt.u32 s8, $0xFFFFF086  }
0x1c: {  	p1 =	slt.u32 s9, $0xF7A;
	s5 =	simm.s32 @!p2 $0x0  }
0x1d: {  	s5 =	simm.s32 @p1 $0x1;
	p0 =	seq.s32 s7, s2  }
0x1e: {  	s7 =	smul.u32 @!p0 $0xF7A, s2;
	p2 =	seq.s32 @!p0 s5, $0x0  }
0x1f: {  	s9 =	smul.u32 $0xF7A, s1;
	s8 =	simm.s32 @!p0 $0x1BF5;
	p2 =	por !p2, p0  }
0x20: {  	[sflag:s8] =	ssyncset.s32 @!p0 $0xFFFFF086;
	s6 =	sadd.s32 @!p0 s3, s7;
	s7 =	simm.s32 @!p0 $0x108  }
0x21: {  	s3 =	sadd.s32 s3, s9;
	s6 =	sadd.s32 @!p0 $0x88, s6;
	s7 =	simm.s32 @p2 $0x1082  }
0x22: {  	[simem:s7], [sflag:s8] =	dma.local @!p0 [hbm:s6], $0xF7A  }
0x23: {  	s9 =	sor.u32 $0xD0000000, s2;
	s6 =	simm.s32 $0x108;
	_ =	swait.ge @!p0 [sflag:s8], $0x0  }
0x24: {  	s3 =	sadd.s32 $0x88, s3;
	s6 =	simm.s32 @!p1 $0x1082;
	[sflag:s4] =	ssyncset.s32 $0xFFFFF086  }
0x25: {  	[simem:s6], [sflag:s4] =	dma.local [hbm:s3], $0xF7A  }
0x26: {  	[smem:$0x3F9B] =	sst s1;
	(tag) =	ssettag s2;
	_ =	strace s9  }
0x27: {  	s1 =	sld [smem:$0x3FAB]  }
0x28: {  	s2 =	sld [smem:$0x3FAC]  }
0x29: {  	s4 =	sld [smem:$0x3FAE]  }
0x2a: {  	p0 =	seq.s32 s5, $0x0;
	s5 =	sld [smem:$0x3FAF]  }
0x2b: {  	s6 =	sld [smem:$0x3FB0]  }
0x2c: {  	s7 =	sld [smem:$0x3FB1]  }
0x2d: {  	s3 =	simm.s32 $0x108;
	s8 =	sld [smem:$0x3FB2]  }
0x2e: {  	s3 =	simm.s32 @!p0 $0x1082;
	s9 =	sld [smem:$0x3FB3]  }
0x2f: {  	lr =	sadd.s32 s0, s3;
	s0 =	sld [smem:$0x3FAA]  }
0x30: {  	s3 =	sld [smem:$0x3FAD]  }
0x31: {  	[smem:$0x3FB6] =	sst s10  }
0x32: {  	s10 =	sld [smem:$0x3FB4];
	_ =	sdelay $0x3  }
0x33: {  	p0 =	seq.s32 s10, $0x1;
	s10 =	sld [smem:$0x3FB6];
	_ =	sdelay $0x3  }
0x34: {  	[smem:$0x3FB6] =	sst s10  }
0x35: {  	s10 =	sld [smem:$0x3FB5];
	_ =	sdelay $0x3  }
0x36: {  	p1 =	seq.s32 s10, $0x1;
	s10 =	sld [smem:$0x3FB6];
	_ =	sdelay $0x3  }
0x37: {  	[smem:$0x3FB6] =	sst s10  }
0x38: {  	s10 =	sld [smem:$0x3FB7]  }
0x39: {  	_ = 	snop;
	(pc) =	sbr.ind lr, $3  }
0x3a: {  	_ = 	snop  }
0x3b: {  	_ = 	snop  }
0x3c: {  	p2 =	seq.s32 s10, $0x1;
	s10 =	sld [smem:$0x3FB6]  }
0x3d: {  	_ =	shalt  }
0x3e: {  	_ =	shalt  }
0x3f: {  	_ =	shalt  }
0x40: {  	_ =	shalt  }
0x41: {  	_ =	shalt  }
0x42: {  	_ =	shalt  }
0x43: {  	_ =	shalt  }
0x44: {  	_ =	shalt  }
0x45: {  	_ =	shalt  }
0x46: {  	_ =	shalt  }
0x47: {  	_ =	shalt  }
0x48: {  	_ =	shalt  }
0x49: {  	_ =	shalt  }
0x4a: {  	_ =	shalt  }
0x4b: {  	_ =	shalt  }
0x4c: {  	_ =	shalt  }
0x4d: {  	_ =	shalt  }
0x4e: {  	_ =	shalt  }
0x4f: {  	_ =	shalt  }
0x50: {  	_ =	shalt  }
0x51: {  	_ =	shalt  }
0x52: {  	_ =	shalt  }
0x53: {  	_ =	shalt  }
0x54: {  	_ =	shalt  }
0x55: {  	_ =	shalt  }
0x56: {  	_ =	shalt  }
0x57: {  	_ =	shalt  }
0x58: {  	_ =	shalt  }
0x59: {  	_ =	shalt  }
0x5a: {  	_ =	shalt  }
0x5b: {  	_ =	shalt  }
0x5c: {  	_ =	shalt  }
0x5d: {  	_ =	shalt  }
0x5e: {  	_ =	shalt  }
0x5f: {  	_ =	shalt  }
0x60: {  	_ =	shalt  }
0x61: {  	_ =	shalt  }
0x62: {  	_ =	shalt  }
0x63: {  	_ =	shalt  }
0x64: {  	_ =	shalt  }
0x65: {  	_ =	shalt  }
0x66: {  	_ =	shalt  }
0x67: {  	_ =	shalt  }
0x68: {  	_ =	shalt  }
0x69: {  	_ =	shalt  }
0x6a: {  	_ =	shalt  }
0x6b: {  	_ =	shalt  }
0x6c: {  	_ =	shalt  }
0x6d: {  	_ =	shalt  }
0x6e: {  	_ =	shalt  }
0x6f: {  	_ =	shalt  }
0x70: {  	_ =	shalt  }
0x71: {  	_ =	shalt  }
0x72: {  	_ =	shalt  }
0x73: {  	_ =	shalt  }
0x74: {  	_ =	shalt  }
0x75: {  	_ =	shalt  }
0x76: {  	_ =	shalt  }
0x77: {  	_ =	shalt  }
0x78: {  	_ =	shalt  }
0x79: {  	_ =	shalt  }
0x7a: {  	_ =	shalt  }
0x7b: {  	_ =	shalt  }
0x7c: {  	_ =	shalt  }
0x7d: {  	_ =	shalt  }
0x7e: {  	_ =	shalt  }
0x7f: {  	_ =	shalt  }
0x80: {  	_ =	shalt  }
0x81: {  	_ =	shalt  }
0x82: {  	_ =	shalt  }
0x83: {  	_ =	shalt  }
0x84: {  	_ =	shalt  }
0x85: {  	_ =	shalt  }
0x86: {  	_ =	shalt  }
0x87: {  	_ =	shalt  }
.Lfunc_end0:
.L_simem_size_0:
called_computation.1_lowered:
.L_overlay_start_0:
0x88: {  	s2 =	sld [smem:$0x3FD9]  }
0x89: {  	s3 =	sld [smem:$0x3FFE];
	_ =	sdelay $0x1  }
0x8a: {  	s1 =	srdreg.scid  }
0x8b: {  	s0 =	sand.u32 $0x1, s1  }
0x8c: {  	s17 =	sshll.u32 s0, $0xA;
	s2 =	sadd.s32 s3, s2  }
0x8d: {  	s2 =	sadd.s32 s2, s17  }
0x8e: {  	[smem:$0x3FC2] =	sst s2  }
0x8f: {  	_ = 	snop  }
0x90: {  	s2 =	sld [smem:$0x3FD0];
	(tm) =	ssettm $0x1  }
0x91: {  	s18 =	sld [smem:$0x3FFB];
	_ =	sdelay $0x3  }
0x92: {  	_ =	strace s18  }
0x93: {  	s3 =	sld [smem:$0x3FFC];
	_ =	sdelay $0x3  }
0x94: {  	_ =	strace s3  }
0x95: {  	s3 =	sld [smem:$0x3FFD];
	_ =	sdelay $0x3  }
0x96: {  	_ =	strace s3  }
0x97: {  	_ =	strace $0x8FFFFFFF  }
0x98: {  	s19 =	sld [smem:$0x3FDB];
	_ =	sdelay $0x1  }
0x99: {  	s4 =	simm.s32 $_scs_section_size  }
0x9a: {  	s5 =	simm.s32 $_size__tile_overlayer_lowered;
	s6 =	simm.s32 $_tile_overlayer_lowered  }
0x9b: {  	s22 =	simm.s32 $0x1BFF;
	s21 =	sshll.u32 s6, $0x1;
	s3 =	sadd.s32 s4, s19  }
0x9c: {  	s7 =	simm.s32 $0x0;
	s20 =	sshll.u32 s5, $0x1;
	s5 =	sadd.s32 s21, s3  }
0x9d: {  	[timem:s7], [sflag:s22] =	dma.local [hbm:s5], s20  }
0x9e: {  	_ =	swait.ge [sflag:s22], s20  }
0x9f: {  	s4 =	ssub.s32 $0x0, s20;
	[sflag:s22] =	ssyncset.done $0x0  }
0xa0: {  	[sflag:s22] =	ssyncadd.s32 s4;
	_ =	sdelay $0x1  }
0xa1: {  	s23 =	simm.s32 $0x1B8B  }
0xa2: {  	_ =	swait.ge [sflag:s23], $0x1  }
0xa3: {  	[sflag:s23] =	ssyncset.done $0x0  }
0xa4: {  	s25 =	simm.s32 $0x1B8E;
	s24 =	sld [smem:$0x3FFE];
	[sflag:s23] =	ssyncadd.s32 $0xFFFFFFFF  }
0xa5: {  	s26 =	simm.s32 $execute0_lowered;
	[smem:$0x3FD2] =	sst s25  }
0xa6: {  	s5 =	sshll.u32 s26, $0x1;
	_ =	strace $0x80000049;
	[dreg:$0x1] =	wrdreg $0xFFFFFFFF  }
0xa7: {  	s28 =	simm.s32 $_size_execute0_lowered;
	s3 =	sadd.s32 s3, s5;
	[dreg:$0x0] =	wrdreg $0x0  }
0xa8: {  	s5 =	sshll.u32 s28, $0x1;
	[dreg:$0x2] =	wrdreg s3  }
0xa9: {  	[dreg:$0x3] =	wrdreg s5  }
0xaa: {  	[dreg:$0x4] =	wrdreg $0xC0  }
0xab: {  	_ =	task [dreg:s7], $0x5FFFF  }
0xac: {  	[dreg:$0x1] =	wrdreg $0xFFFFFFFF  }
0xad: {  	[dreg:$0x0] =	wrdreg $0x60  }
0xae: {  	[dreg:$0x2] =	wrdreg s24  }
0xaf: {  	[dreg:$0x3] =	wrdreg s2  }
0xb0: {  	[dreg:$0x4] =	wrdreg $0x69800  }
0xb1: {  	[dreg:$0x5] =	wrdreg $0x9  }
0xb2: {  	_ =	task.clear_ibuf [dreg:s7], $0x6FFFF;
	_ =	strace $0x90000049  }
0xb3: {  	s29 =	simm.s32 $0x9;
	_ =	strace $0x8000004B  }
0xb4: {  	_ =	swait.ge [sflag:s29], $0x1  }
0xb5: {  	[sflag:s29] =	ssyncadd.s32 $0xFFFFFFFF  }
0xb6: {  	_ =	strace $0x9000004B  }
0xb7: {  	_ =	sfence  }
0xb8: {  	s30 =	sld [smem:$0x0];
	_ =	sdelay $0x2  }
0xb9: {  	s31 =	sshll.u32 s1, $0xD;
	s1 =	sshrl.u32 s1, $0x2  }
0xba: {  	s3 =	sand.u32 $0x4000, s31;
	s1 =	sadd.s32 s1, s30  }
0xbb: {  	s0 =	sor.u32 s3, s0;
	s1 =	sshll.u32 s1, $0x11  }
0xbc: {  	s0 =	sor.u32 s1, s0  }
0xbd: {  	s0 =	sadd.s32 $0x8F2B, s0  }
0xbe: {  	[sflag:s0] =	ssyncadd.remote.s32 $0x1  }
0xbf: {  	_ =	sfence.sel $0xFFFF  }
0xc0: {  	[dreg:$0x0] =	wrdreg $0xFFFFFFFF;
	(pc) =	sbr.abs _section_cstart, $3  }
0xc1: {  	[dreg:$0x1] =	wrdreg $0xFFFFFFFF  }
0xc2: {  	_ =	task.clear_ibuf [dreg:s7], $0x2FFFF;
	_ =	strace $0x9FFFFFFF  }
0xc3: {  	(tm) =	ssettm $0x7FFFFFFF  }
tec
execute0_lowered:
.L_overlay_start_1:
0x0: {  	(tag) =	ssettag $0x1  }
0x1: {  	s6 =	rddreg [dreg:$0x0]  }
0x2: {  	s1 =	rddreg [dreg:$0x1];
	s0 =	stileid.u32  }
0x3: {  	s2 =	srdreg.scid;
	s3 =	rddreg [dreg:$0x2];
	s4 =	simm.s32 $0x0  }
0x4: {  	s14 =	simm.s32 $0x4;
	s15 =	simm.s32 $0x40;
	s16 =	simm.s32 $0x2900  }
0x5: {  	s17 =	simm.s32 $0x100;
	s18 =	simm.s32 $0x2;
	s19 =	simm.s32 $0x3  }
0x6: {  	s20 =	simm.s32 $0x50;
	s21 =	simm.s32 $0x80;
	s5 =	smul.u32 $0x4E200, s0  }
0x7: {  	s23 =	simm.s32 $0x1;
	s24 =	simm.s32 $0x0;
	s7 =	smul.u32 $0x9C4, s0  }
0x8: {  	s8 =	sand.u32 $0x1, s2;
	[smem:$0x7FF] =	sst s4;
	s10 =	smul.u32 $0xA000, s0  }
0x9: {  	s9 =	smul.u32 $0xA0000, s8;
	_ =	strace $0x8000004A;
	s29 =	ssub.s32 $0x2, s8  }
0xa: {  	s22 =	smul.u32 $0x1400, s8;
	s11 =	sadd.s32 s5, s6;
	s12 =	sadd.s32 s7, s6  }
0xb: {  	s31 =	sshrl.u32 s29, $0x1;
	s5 =	smul.u32 $0x140, s0;
	s30 =	sadd.s32 s10, s9  }
0xc: {  	s9 =	ssub.s32 s29, s31;
	s8 =	sadd.s32 $0xBC00, s12;
	s7 =	sshrl.u32 s30, $0x3  }
0xd: {  	v0 =	vmov s22;
	s22 =	simm.s32 $0x4980;
	s10 =	sor.u32 $0x30, s5;
	s13 =	sadd.s32 s7, s6  }
0xe: {  	s6 =	smax.u32 s9, $0x1;
	s7 =	sadd.s32 $0xF09E00, s11;
	s11 =	sadd.s32 $0x13EBE00, s11  }
0xf: {  	v1 =	vlaneseq.u32;
	s9 =	sadd.s32 $0x15A00, s13;
	s12 =	sadd.s32 $0x3DA00, s13;
	s13 =	simm.s32 $0x2980  }
.LBB2_1:
0x10: {  	[tilespmem:s13], [sflag:$0x4] =	stream.linear.gather [hbm4b:s1+s4], $0x2000, $0x38;
	[tilespmem:$0x109C0] =	vst v63  }
0x11: {  	_ =	swait.ge [sflag:s14], $0x2000  }
0x12: {  	s25 =	sadd.s32 $0x0, s5;
	[sflag:s14] =	ssyncset.done $0x0  }
0x13: {  	v2 =	vor.u32 s25, v1;
	s26 =	sadd.s32 $0x30, s25;
	[sflag:s14] =	ssyncadd.s32 $0xFFFFE000  }
0x14: {  	s28 =	sadd.s32 $0x20, s25;
	v3 =	vor.u32 s26, v1;
	[tilespmem:$0x2900] =	vst v2  }
0x15: {  	s26 =	sadd.s32 $0x10, s25;
	s25 =	simm.s32 $0x40;
	v2 =	vor.u32 s28, v1;
	[tilespmem:$0x2930] =	vst v3  }
.LBB2_2:
0x16: {  	p0 =	sne.s32 s25, $0x100;
	v3 =	vor.u32 s26, v1;
	[tilespmem:$0x2920] =	vst v2  }
0x17: {  	[tilespmem:$0x2910] =	vst v3;
	[spmem:s3] =	stream.indirect.scatter [tilespmem:s13], [sflag:$0x4], $0x80, s16, s15, $0xb8  }
.Ltmp0:
0x18: {  	_ =	swait.ge [sflag:s14], $0x2000;
	(pc) =	sbr.rel @p0 .LBB2_2-.Ltmp0, $4  }
0x19: {  	s26 =	sadd.s32 s25, s5;
	[sflag:s14] =	ssyncset.done $0x0  }
0x1a: {  	v2 =	vor.u32 s26, v1;
	s28 =	sadd.s32 $0x30, s26;
	[sflag:s14] =	ssyncadd.s32 $0xFFFFE000  }
0x1b: {  	s29 =	sadd.s32 $0x20, s26;
	v3 =	vor.u32 s28, v1;
	[tilespmem:$0x2900] =	vst v2  }
0x1c: {  	s25 =	sadd.s32 $0x40, s25;
	s26 =	sadd.s32 $0x10, s26;
	v2 =	vor.u32 s29, v1;
	[tilespmem:$0x2930] =	vst v3  }
0x1d: {  	v3 =	vor.u32 s26, v1;
	[tilespmem:$0x2920] =	vst v2  }
0x1e: {  	[tilespmem:$0x2910] =	vst v3  }
0x1f: {  	[spmem:s3] =	stream.indirect.scatter [tilespmem:s13], [sflag:$0x4], $0x80, s16, s15, $0xb8;
	[tilespmem:$0x109C0] =	vst v63  }
0x20: {  	_ =	swait.ge [sflag:s14], $0x2000  }
0x21: {  	[sflag:s14] =	ssyncset.done $0x0  }
0x22: {  	[sflag:s14] =	ssyncadd.s32 $0xFFFFE000  }
0x23: {  	s25 =	sadd.s32 $0x0, s8;
	[bflag:$0x0] =	sbarrier.arrive $0xFFFF  }
0x24: {  	[tilespmem:s4], [sflag:$0x2] =	stream.linear.gather [hbm4b:s25+s4], $0x50, $0x38;
	[tilespmem:$0x109C0] =	vst v63  }
0x25: {  	_ = 	snop  }
0x26: {  	[tilespmem:s17], [sflag:$0x3] =	stream.linear.gather [hbm4b:s7+s4], $0x2800, $0x38;
	[tilespmem:$0x109C0] =	vst v63  }
0x27: {  	_ =	swait.ge [sflag:s18], $0x50  }
0x28: {  	[sflag:s18] =	ssyncset.done $0x0  }
0x29: {  	[sflag:s18] =	ssyncadd.s32 $0xFFFFFFB0  }
0x2a: {  	v2 =	vld [tilespmem:$0x40]  }
0x2b: {  	v3 =	vld [tilespmem:$0x30]  }
0x2c: {  	v4 =	vld [tilespmem:$0x20]  }
0x2d: {  	v5 =	vld [tilespmem:$0x10]  }
0x2e: {  	v6 =	vld [tilespmem:$0x0]  }
0x2f: {  	v2 =	vsub.s32 v2, v0  }
0x30: {  	v3 =	vsub.s32 v3, v0;
	v2 =	vmin.u32 v2, $0x1400  }
0x31: {  	v4 =	vsub.s32 v4, v0;
	v3 =	vmin.u32 v3, $0x1400;
	[tilespmem:$0xC0] =	vst v2  }
0x32: {  	v4 =	vmin.u32 v4, $0x1400;
	v2 =	vsub.s32 v5, v0;
	[tilespmem:$0xB0] =	vst v3  }
0x33: {  	v3 =	vsub.s32 v6, v0;
	[tilespmem:$0xA0] =	vst v4;
	v2 =	vmin.u32 v2, $0x1400  }
0x34: {  	v3 =	vmin.u32 v3, $0x1400;
	[tilespmem:$0x90] =	vst v2  }
0x35: {  	[tilespmem:$0x80] =	vst v3  }
0x36: {  	_ =	swait.ge [sflag:s19], $0x2800  }
0x37: {  	s26 =	smov.u32 s7;
	s25 =	simm.s32 $0xA;
	[sflag:s19] =	ssyncset.done $0x0  }
.LBB2_4:
0x38: {  	p0 =	sne.s32 s25, $0x9BA;
	[sflag:s19] =	ssyncadd.s32 $0xFFFFD800;
	s26 =	sadd.s32 $0x500, s26  }
0x39: {  	[spmem:s3] =	stream.indirect.scatter.add.f32 [tilespmem:s17], [sflag:$0x4], $0x80, s21, s20, $0xb8;
	[tilespmem:$0x109C0] =	vst v63  }
0x3a: {  	s28 =	smov.u32 s25;
	s25 =	sadd.s32 $0xA, s25;
	_ =	swait.ge [sflag:s14], $0x2800  }
0x3b: {  	[sflag:s14] =	ssyncset.done $0x0  }
0x3c: {  	s28 =	sadd.s32 s28, s8;
	[sflag:s14] =	ssyncadd.s32 $0xFFFFD800  }
0x3d: {  	[tilespmem:s4], [sflag:$0x2] =	stream.linear.gather [hbm4b:s28+s4], $0x50, $0x38;
	[tilespmem:$0x109C0] =	vst v63  }
0x3e: {  	_ = 	snop  }
0x3f: {  	[tilespmem:s17], [sflag:$0x3] =	stream.linear.gather [hbm4b:s26+s4], $0x2800, $0x38;
	[tilespmem:$0x109C0] =	vst v63  }
0x40: {  	_ =	swait.ge [sflag:s18], $0x50  }
0x41: {  	[sflag:s18] =	ssyncset.done $0x0  }
0x42: {  	[sflag:s18] =	ssyncadd.s32 $0xFFFFFFB0  }
0x43: {  	v2 =	vld [tilespmem:$0x40]  }
0x44: {  	v3 =	vld [tilespmem:$0x30]  }
0x45: {  	v4 =	vld [tilespmem:$0x20]  }
0x46: {  	v5 =	vld [tilespmem:$0x10]  }
0x47: {  	v6 =	vld [tilespmem:$0x0]  }
0x48: {  	v2 =	vsub.s32 v2, v0  }
0x49: {  	v3 =	vsub.s32 v3, v0;
	v2 =	vmin.u32 v2, $0x1400  }
0x4a: {  	v4 =	vsub.s32 v4, v0;
	v3 =	vmin.u32 v3, $0x1400;
	[tilespmem:$0xC0] =	vst v2  }
0x4b: {  	v2 =	vsub.s32 v5, v0;
	v4 =	vmin.u32 v4, $0x1400;
	[tilespmem:$0xB0] =	vst v3  }
.Ltmp1:
0x4c: {  	v3 =	vsub.s32 v6, v0;
	v2 =	vmin.u32 v2, $0x1400;
	[tilespmem:$0xA0] =	vst v4;
	(pc) =	sbr.rel @p0 .LBB2_4-.Ltmp1, $4  }
0x4d: {  	v3 =	vmin.u32 v3, $0x1400;
	[tilespmem:$0x90] =	vst v2  }
0x4e: {  	[tilespmem:$0x80] =	vst v3  }
0x4f: {  	_ =	swait.ge [sflag:s19], $0x2800  }
0x50: {  	[sflag:s19] =	ssyncset.done $0x0  }
0x51: {  	[sflag:s19] =	ssyncadd.s32 $0xFFFFD800  }
0x52: {  	[spmem:s3] =	stream.indirect.scatter.add.f32 [tilespmem:s17], [sflag:$0x4], $0x80, s21, s20, $0xb8;
	[tilespmem:$0x109C0] =	vst v63  }
0x53: {  	_ =	swait.ge [sflag:s14], $0x2800  }
0x54: {  	[sflag:s14] =	ssyncset.done $0x0  }
0x55: {  	[sflag:s14] =	ssyncadd.s32 $0xFFFFD800  }
0x56: {  	s25 =	sadd.s32 $0xFFFFFFF0, s10;
	v2 =	vor.u32 s10, v1;
	[bflag:$0x0] =	sbarrier.arrive $0xFFFF  }
0x57: {  	s26 =	sadd.s32 $0xFFFFFFE0, s10;
	v3 =	vor.u32 s25, v1;
	[tilespmem:$0x2930] =	vst v2  }
0x58: {  	s30 =	sadd.s32 $0xFFFFFFD0, s10;
	v4 =	vor.u32 s26, v1;
	[tilespmem:$0x2920] =	vst v3  }
0x59: {  	v5 =	vor.u32 s30, v1;
	[tilespmem:$0x2910] =	vst v4  }
0x5a: {  	[tilespmem:$0x2900] =	vst v5  }
0x5b: {  	[tilespmem:s22], [sflag:$0x1] =	stream.indirect.gather [spmem:s3], $0x80, s16, s15, $0xb8;
	[tilespmem:$0x109C0] =	vst v63  }
0x5c: {  	_ =	swait.ge [sflag:s23], $0x2000  }
0x5d: {  	s31 =	sadd.s32 $0x0, s9;
	s28 =	smov.u32 s10;
	[sflag:s23] =	ssyncset.done $0x0  }
0x5e: {  	s25 =	simm.s32 $0x0;
	s26 =	simm.s32 $0x400;
	[sflag:s23] =	ssyncadd.s32 $0xFFFFE000  }
0x5f: {  	[hbm4b:s31+s25] =	stream.linear.scatter [tilespmem:s22], [sflag:$0x4], $0x2000, $0x38;
	[tilespmem:$0x109C0] =	vst v63  }
.LBB2_6:
0x60: {  	p0 =	sne.s32 s26, $0x1000  }
0x61: {  	_ =	swait.ge [sflag:s14], $0x2000;
	s28 =	sadd.s32 $0x40, s28;
	s29 =	smov.u32 s26  }
0x62: {  	s26 =	sadd.s32 $0x400, s26;
	s30 =	sadd.s32 $0xFFFFFFD0, s28;
	[sflag:s14] =	ssyncset.done $0x0  }
0x63: {  	s31 =	sadd.s32 $0xFFFFFFE0, s28;
	s2 =	sadd.s32 $0xFFFFFFF0, s28;
	v6 =	vor.u32 s28, v1;
	[sflag:s14] =	ssyncadd.s32 $0xFFFFE000  }
0x64: {  	v7 =	vor.u32 s30, v1;
	v8 =	vor.u32 s31, v1;
	v9 =	vor.u32 s2, v1;
	[tilespmem:$0x2930] =	vst v6  }
0x65: {  	[tilespmem:$0x2920] =	vst v9  }
0x66: {  	[tilespmem:$0x2910] =	vst v8  }
0x67: {  	[tilespmem:$0x2900] =	vst v7  }
0x68: {  	[tilespmem:s22], [sflag:$0x1] =	stream.indirect.gather [spmem:s3], $0x80, s16, s15, $0xb8;
	[tilespmem:$0x109C0] =	vst v63  }
.Ltmp2:
0x69: {  	_ = 	snop;
	(pc) =	sbr.rel @p0 .LBB2_6-.Ltmp2, $4  }
0x6a: {  	_ =	swait.ge [sflag:s23], $0x2000  }
0x6b: {  	s2 =	sadd.s32 s29, s9;
	[sflag:s23] =	ssyncset.done $0x0  }
0x6c: {  	[sflag:s23] =	ssyncadd.s32 $0xFFFFE000  }
0x6d: {  	[hbm4b:s2+s25] =	stream.linear.scatter [tilespmem:s22], [sflag:$0x4], $0x2000, $0x38;
	[tilespmem:$0x109C0] =	vst v63  }
0x6e: {  	_ =	swait.ge [sflag:s14], $0x2000  }
0x6f: {  	s2 =	sadd.s32 $0x0, s5;
	[sflag:s14] =	ssyncset.done $0x0  }
0x70: {  	v6 =	vor.u32 s2, v1;
	s25 =	sadd.s32 $0x30, s2;
	[sflag:s14] =	ssyncadd.s32 $0xFFFFE000  }
0x71: {  	s28 =	sadd.s32 $0x20, s2;
	v7 =	vor.u32 s25, v1;
	[tilespmem:$0x2900] =	vst v6  }
0x72: {  	s26 =	sadd.s32 $0x10, s2;
	s25 =	simm.s32 $0x40;
	v6 =	vor.u32 s28, v1;
	[tilespmem:$0x2930] =	vst v7  }
.LBB2_8:
0x73: {  	p0 =	sne.s32 s25, $0x100;
	v7 =	vor.u32 s26, v1;
	[tilespmem:$0x2920] =	vst v6  }
0x74: {  	[tilespmem:$0x2910] =	vst v7;
	[spmem:s3] =	stream.indirect.scatter [tilespmem:s13], [sflag:$0x4], $0x80, s16, s15, $0xb8  }
.Ltmp3:
0x75: {  	_ =	swait.ge [sflag:s14], $0x2000;
	(pc) =	sbr.rel @p0 .LBB2_8-.Ltmp3, $4  }
0x76: {  	s2 =	sadd.s32 s25, s5;
	[sflag:s14] =	ssyncset.done $0x0  }
0x77: {  	v6 =	vor.u32 s2, v1;
	s26 =	sadd.s32 $0x30, s2;
	[sflag:s14] =	ssyncadd.s32 $0xFFFFE000  }
0x78: {  	s28 =	sadd.s32 $0x20, s2;
	v7 =	vor.u32 s26, v1;
	[tilespmem:$0x2900] =	vst v6  }
0x79: {  	s25 =	sadd.s32 $0x40, s25;
	s26 =	sadd.s32 $0x10, s2;
	v6 =	vor.u32 s28, v1;
	[tilespmem:$0x2930] =	vst v7  }
0x7a: {  	v7 =	vor.u32 s26, v1;
	[tilespmem:$0x2920] =	vst v6  }
0x7b: {  	[tilespmem:$0x2910] =	vst v7  }
0x7c: {  	[spmem:s3] =	stream.indirect.scatter [tilespmem:s13], [sflag:$0x4], $0x80, s16, s15, $0xb8;
	[tilespmem:$0x109C0] =	vst v63  }
0x7d: {  	_ =	swait.ge [sflag:s14], $0x2000  }
0x7e: {  	[sflag:s14] =	ssyncset.done $0x0  }
0x7f: {  	[sflag:s14] =	ssyncadd.s32 $0xFFFFE000  }
0x80: {  	s2 =	sadd.s32 $0x0, s8;
	[bflag:$0x0] =	sbarrier.arrive $0xFFFF  }
0x81: {  	[tilespmem:s4], [sflag:$0x2] =	stream.linear.gather [hbm4b:s2+s4], $0x50, $0x38;
	[tilespmem:$0x109C0] =	vst v63  }
0x82: {  	_ = 	snop  }
0x83: {  	[tilespmem:s17], [sflag:$0x3] =	stream.linear.gather [hbm4b:s11+s4], $0x2800, $0x38;
	[tilespmem:$0x109C0] =	vst v63  }
0x84: {  	_ =	swait.ge [sflag:s18], $0x50  }
0x85: {  	[sflag:s18] =	ssyncset.done $0x0  }
0x86: {  	[sflag:s18] =	ssyncadd.s32 $0xFFFFFFB0  }
0x87: {  	v6 =	vld [tilespmem:$0x40]  }
0x88: {  	v7 =	vld [tilespmem:$0x30]  }
0x89: {  	v8 =	vld [tilespmem:$0x20]  }
0x8a: {  	v9 =	vld [tilespmem:$0x10]  }
0x8b: {  	v10 =	vld [tilespmem:$0x0]  }
0x8c: {  	v6 =	vsub.s32 v6, v0  }
0x8d: {  	v7 =	vsub.s32 v7, v0;
	v6 =	vmin.u32 v6, $0x1400  }
0x8e: {  	v8 =	vsub.s32 v8, v0;
	v7 =	vmin.u32 v7, $0x1400;
	[tilespmem:$0xC0] =	vst v6  }
0x8f: {  	v8 =	vmin.u32 v8, $0x1400;
	v6 =	vsub.s32 v9, v0;
	[tilespmem:$0xB0] =	vst v7  }
0x90: {  	v7 =	vsub.s32 v10, v0;
	[tilespmem:$0xA0] =	vst v8;
	v6 =	vmin.u32 v6, $0x1400  }
0x91: {  	v7 =	vmin.u32 v7, $0x1400;
	[tilespmem:$0x90] =	vst v6  }
0x92: {  	[tilespmem:$0x80] =	vst v7  }
0x93: {  	_ =	swait.ge [sflag:s19], $0x2800  }
0x94: {  	s25 =	simm.s32 $0xA;
	s26 =	smov.u32 s11;
	[sflag:s19] =	ssyncset.done $0x0  }
.LBB2_10:
0x95: {  	p0 =	sne.s32 s25, $0x9BA;
	[sflag:s19] =	ssyncadd.s32 $0xFFFFD800;
	s26 =	sadd.s32 $0x500, s26  }
0x96: {  	[spmem:s3] =	stream.indirect.scatter.add.f32 [tilespmem:s17], [sflag:$0x4], $0x80, s21, s20, $0xb8;
	[tilespmem:$0x109C0] =	vst v63  }
0x97: {  	s2 =	smov.u32 s25;
	s25 =	sadd.s32 $0xA, s25;
	_ =	swait.ge [sflag:s14], $0x2800  }
0x98: {  	[sflag:s14] =	ssyncset.done $0x0  }
0x99: {  	s2 =	sadd.s32 s2, s8;
	[sflag:s14] =	ssyncadd.s32 $0xFFFFD800  }
0x9a: {  	[tilespmem:s4], [sflag:$0x2] =	stream.linear.gather [hbm4b:s2+s4], $0x50, $0x38;
	[tilespmem:$0x109C0] =	vst v63  }
0x9b: {  	_ = 	snop  }
0x9c: {  	[tilespmem:s17], [sflag:$0x3] =	stream.linear.gather [hbm4b:s26+s4], $0x2800, $0x38;
	[tilespmem:$0x109C0] =	vst v63  }
0x9d: {  	_ =	swait.ge [sflag:s18], $0x50  }
0x9e: {  	[sflag:s18] =	ssyncset.done $0x0  }
0x9f: {  	[sflag:s18] =	ssyncadd.s32 $0xFFFFFFB0  }
0xa0: {  	v6 =	vld [tilespmem:$0x40]  }
0xa1: {  	v7 =	vld [tilespmem:$0x30]  }
0xa2: {  	v8 =	vld [tilespmem:$0x20]  }
0xa3: {  	v9 =	vld [tilespmem:$0x10]  }
0xa4: {  	v10 =	vld [tilespmem:$0x0]  }
0xa5: {  	v6 =	vsub.s32 v6, v0  }
0xa6: {  	v7 =	vsub.s32 v7, v0;
	v6 =	vmin.u32 v6, $0x1400  }
0xa7: {  	v8 =	vsub.s32 v8, v0;
	v7 =	vmin.u32 v7, $0x1400;
	[tilespmem:$0xC0] =	vst v6  }
0xa8: {  	v6 =	vsub.s32 v9, v0;
	v8 =	vmin.u32 v8, $0x1400;
	[tilespmem:$0xB0] =	vst v7  }
.Ltmp4:
0xa9: {  	v7 =	vsub.s32 v10, v0;
	v6 =	vmin.u32 v6, $0x1400;
	[tilespmem:$0xA0] =	vst v8;
	(pc) =	sbr.rel @p0 .LBB2_10-.Ltmp4, $4  }
0xaa: {  	v7 =	vmin.u32 v7, $0x1400;
	[tilespmem:$0x90] =	vst v6  }
0xab: {  	[tilespmem:$0x80] =	vst v7  }
0xac: {  	_ =	swait.ge [sflag:s19], $0x2800  }
0xad: {  	[sflag:s19] =	ssyncset.done $0x0  }
0xae: {  	[sflag:s19] =	ssyncadd.s32 $0xFFFFD800  }
0xaf: {  	[spmem:s3] =	stream.indirect.scatter.add.f32 [tilespmem:s17], [sflag:$0x4], $0x80, s21, s20, $0xb8;
	[tilespmem:$0x109C0] =	vst v63  }
0xb0: {  	_ =	swait.ge [sflag:s14], $0x2800  }
0xb1: {  	[sflag:s14] =	ssyncset.done $0x0  }
0xb2: {  	[sflag:s14] =	ssyncadd.s32 $0xFFFFD800  }
0xb3: {  	[bflag:$0x0] =	sbarrier.arrive $0xFFFF  }
0xb4: {  	[tilespmem:$0x2930] =	vst v2  }
0xb5: {  	[tilespmem:$0x2920] =	vst v3  }
0xb6: {  	[tilespmem:$0x2910] =	vst v4  }
0xb7: {  	[tilespmem:$0x2900] =	vst v5  }
0xb8: {  	[tilespmem:s22], [sflag:$0x1] =	stream.indirect.gather [spmem:s3], $0x80, s16, s15, $0xb8;
	[tilespmem:$0x109C0] =	vst v63  }
0xb9: {  	_ =	swait.ge [sflag:s23], $0x2000  }
0xba: {  	s2 =	sadd.s32 $0x0, s12;
	[sflag:s23] =	ssyncset.done $0x0  }
0xbb: {  	s25 =	simm.s32 $0x400;
	s26 =	smov.u32 s10;
	[sflag:s23] =	ssyncadd.s32 $0xFFFFE000  }
0xbc: {  	[hbm4b:s2+s4] =	stream.linear.scatter [tilespmem:s22], [sflag:$0x4], $0x2000, $0x38;
	[tilespmem:$0x109C0] =	vst v63  }
.LBB2_12:
0xbd: {  	p0 =	sne.s32 s25, $0x1000  }
0xbe: {  	_ =	swait.ge [sflag:s14], $0x2000;
	s26 =	sadd.s32 $0x40, s26;
	s2 =	smov.u32 s25  }
0xbf: {  	s25 =	sadd.s32 $0x400, s25;
	s28 =	sadd.s32 $0xFFFFFFD0, s26;
	[sflag:s14] =	ssyncset.done $0x0  }
0xc0: {  	s29 =	sadd.s32 $0xFFFFFFE0, s26;
	s30 =	sadd.s32 $0xFFFFFFF0, s26;
	v2 =	vor.u32 s26, v1;
	[sflag:s14] =	ssyncadd.s32 $0xFFFFE000  }
0xc1: {  	v3 =	vor.u32 s28, v1;
	v4 =	vor.u32 s29, v1;
	v5 =	vor.u32 s30, v1;
	[tilespmem:$0x2930] =	vst v2  }
0xc2: {  	[tilespmem:$0x2920] =	vst v5  }
0xc3: {  	[tilespmem:$0x2910] =	vst v4  }
0xc4: {  	[tilespmem:$0x2900] =	vst v3  }
0xc5: {  	[tilespmem:s22], [sflag:$0x1] =	stream.indirect.gather [spmem:s3], $0x80, s16, s15, $0xb8;
	[tilespmem:$0x109C0] =	vst v63  }
.Ltmp5:
0xc6: {  	_ = 	snop;
	(pc) =	sbr.rel @p0 .LBB2_12-.Ltmp5, $4  }
0xc7: {  	_ =	swait.ge [sflag:s23], $0x2000  }
0xc8: {  	s2 =	sadd.s32 s2, s12;
	[sflag:s23] =	ssyncset.done $0x0  }
0xc9: {  	[sflag:s23] =	ssyncadd.s32 $0xFFFFE000  }
0xca: {  	[hbm4b:s2+s4] =	stream.linear.scatter [tilespmem:s22], [sflag:$0x4], $0x2000, $0x38;
	[tilespmem:$0x109C0] =	vst v63  }
0xcb: {  	s24 =	sadd.s32 $0x1, s24  }
0xcc: {  	p0 =	sne.s32 s24, s6  }
.Ltmp6:
0xcd: {  	_ = 	snop;
	(pc) =	sbr.rel @p0 .LBB2_1-.Ltmp6, $4  }
0xce: {  	_ = 	snop  }
0xcf: {  	_ =	swait.ge [sflag:s14], $0x2000  }
0xd0: {  	[sflag:s14] =	ssyncset.done $0x0  }
0xd1: {  	[sflag:s14] =	ssyncadd.s32 $0xFFFFE000  }
0xd2: {  	_ =	sfence.sel $0x180000  }
0xd3: {  	[bflag:$0x0] =	sbarrier.arrive $0xFFFF  }
0xd4: {  	_ =	strace $0x9000004A  }
0xd5: {  	[bflag:$0x2] =	sbarrier.arrive $0xFFFF  }
0xd6: {  	p0 =	sne.s32 s0, $0x0;
	s0 =	rddreg [dreg:$0x3]  }
0xd7: {  	s0 =	sadd.s32 @!p0 $0x100000, s0  }
0xd8: {  	[sflag:s0] =	ssyncadd.tile.s32 @!p0 $0x1;
	_ =	shalt  }
.Lfunc_end2:
_tile_overlayer_lowered:
.L_overlay_start_2:
0xd9: {  	(tag) =	ssettag $0x2  }
0xda: {  	s0 =	rddreg [dreg:$0x0];
	s2 =	stileid.u32  }
0xdb: {  	s1 =	rddreg [dreg:$0x1];
	p0 =	sne.s32 s2, $0x0  }
0xdc: {  	s3 =	rddreg [dreg:$0x2];
	[bflag:$0x3] =	sbarrier.arrive $0xFFFF;
	s2 =	simm.s32 @!p0 $0x1C04  }
0xdd: {  	[timem:s3], [sflag:s2] =	dma.local @!p0 [hbm:s0], s1  }
0xde: {  	s0 =	simm.s32 @!p0 $0x4  }
0xdf: {  	_ =	swait.ge @!p0 [sflag:s0], s1  }
0xe0: {  	s1 =	ssub.s32 @!p0 $0x0, s1;
	[sflag:s0] =	ssyncset.done @!p0 $0x0  }
0xe1: {  	[sflag:s0] =	ssyncadd.s32 @!p0 s1  }
0xe2: {  	[bflag:$0x3] =	sbarrier.arrive $0xFFFF  }
0xe3: {  	_ =	shalt  }

// kernel: kernel.7.cloned.1.call-start
scs
__scs_entry_jumppad:
0x0: {  	(pc) =	sbr.rel $0x88, $3  }
0x1: {  	(tag) =	ssettag $0x0;
	lr =	simm.s32 $0x1  }
0x2: {  	[smem:$0x3F9B] =	sst lr;
	_ =	strace $0xD0000000  }
0x3: {  	_ = 	snop  }
0x4: {  	_ = 	snop  }
0x5: {  	_ = 	snop  }
0x6: {  	_ = 	snop  }
0x7: {  	_ = 	snop  }
__scs_overlays_trampoline_lowered:
0x8: {  	[smem:$0x3FAA] =	sst s0  }
0x9: {  	[smem:$0x3FAB] =	sst s1  }
0xa: {  	[smem:$0x3FAC] =	sst s2  }
0xb: {  	[smem:$0x3FAD] =	sst s3  }
0xc: {  	[smem:$0x3FAE] =	sst s4  }
0xd: {  	[smem:$0x3FAF] =	sst s5  }
0xe: {  	[smem:$0x3FB0] =	sst s6  }
0xf: {  	[smem:$0x3FB1] =	sst s7  }
0x10: {  	[smem:$0x3FB2] =	sst s8  }
0x11: {  	[smem:$0x3FB3] =	sst s9;
	s0 =	simm.s32 @!p0 $0x0  }
0x12: {  	s1 =	sld [smem:$0x3F99];
	s0 =	simm.s32 @p0 $0x1  }
0x13: {  	[smem:$0x3FB4] =	sst s0;
	s0 =	simm.s32 @!p1 $0x0  }
0x14: {  	s2 =	sld [smem:$0x3F98];
	s0 =	simm.s32 @p1 $0x1  }
0x15: {  	[smem:$0x3FB5] =	sst s0;
	s0 =	simm.s32 @!p2 $0x0  }
0x16: {  	s3 =	sld [smem:$0x3FDB];
	s0 =	simm.s32 @p2 $0x1  }
0x17: {  	s4 =	simm.s32 $0x1BF5;
	[smem:$0x3FB7] =	sst s0  }
0x18: {  	s0 =	sld [smem:$0x3F9A];
	_ =	swait.ge [sflag:s4], $0x0  }
0x19: {  	s7 =	sld [smem:$0x3F9B]  }
0x1a: {  	s8 =	sadd.s32 $0xFFFFE003, lr  }
0x1b: {  	s9 =	sadd.s32 $0xFFFFFEF7, lr;
	s5 =	simm.s32 $0xFFFFFFFF;
	p2 =	slt.u32 s8, $0xFFFFF086  }
0x1c: {  	p1 =	slt.u32 s9, $0xF7A;
	s5 =	simm.s32 @!p2 $0x0  }
0x1d: {  	s5 =	simm.s32 @p1 $0x1;
	p0 =	seq.s32 s7, s2  }
0x1e: {  	s7 =	smul.u32 @!p0 $0xF7A, s2;
	p2 =	seq.s32 @!p0 s5, $0x0  }
0x1f: {  	s9 =	smul.u32 $0xF7A, s1;
	s8 =	simm.s32 @!p0 $0x1BF5;
	p2 =	por !p2, p0  }
0x20: {  	[sflag:s8] =	ssyncset.s32 @!p0 $0xFFFFF086;
	s6 =	sadd.s32 @!p0 s3, s7;
	s7 =	simm.s32 @!p0 $0x108  }
0x21: {  	s3 =	sadd.s32 s3, s9;
	s6 =	sadd.s32 @!p0 $0x88, s6;
	s7 =	simm.s32 @p2 $0x1082  }
0x22: {  	[simem:s7], [sflag:s8] =	dma.local @!p0 [hbm:s6], $0xF7A  }
0x23: {  	s9 =	sor.u32 $0xD0000000, s2;
	s6 =	simm.s32 $0x108;
	_ =	swait.ge @!p0 [sflag:s8], $0x0  }
0x24: {  	s3 =	sadd.s32 $0x88, s3;
	s6 =	simm.s32 @!p1 $0x1082;
	[sflag:s4] =	ssyncset.s32 $0xFFFFF086  }
0x25: {  	[simem:s6], [sflag:s4] =	dma.local [hbm:s3], $0xF7A  }
0x26: {  	[smem:$0x3F9B] =	sst s1;
	(tag) =	ssettag s2;
	_ =	strace s9  }
0x27: {  	s1 =	sld [smem:$0x3FAB]  }
0x28: {  	s2 =	sld [smem:$0x3FAC]  }
0x29: {  	s4 =	sld [smem:$0x3FAE]  }
0x2a: {  	p0 =	seq.s32 s5, $0x0;
	s5 =	sld [smem:$0x3FAF]  }
0x2b: {  	s6 =	sld [smem:$0x3FB0]  }
0x2c: {  	s7 =	sld [smem:$0x3FB1]  }
0x2d: {  	s3 =	simm.s32 $0x108;
	s8 =	sld [smem:$0x3FB2]  }
0x2e: {  	s3 =	simm.s32 @!p0 $0x1082;
	s9 =	sld [smem:$0x3FB3]  }
0x2f: {  	lr =	sadd.s32 s0, s3;
	s0 =	sld [smem:$0x3FAA]  }
0x30: {  	s3 =	sld [smem:$0x3FAD]  }
0x31: {  	[smem:$0x3FB6] =	sst s10  }
0x32: {  	s10 =	sld [smem:$0x3FB4];
	_ =	sdelay $0x3  }
0x33: {  	p0 =	seq.s32 s10, $0x1;
	s10 =	sld [smem:$0x3FB6];
	_ =	sdelay $0x3  }
0x34: {  	[smem:$0x3FB6] =	sst s10  }
0x35: {  	s10 =	sld [smem:$0x3FB5];
	_ =	sdelay $0x3  }
0x36: {  	p1 =	seq.s32 s10, $0x1;
	s10 =	sld [smem:$0x3FB6];
	_ =	sdelay $0x3  }
0x37: {  	[smem:$0x3FB6] =	sst s10  }
0x38: {  	s10 =	sld [smem:$0x3FB7]  }
0x39: {  	_ = 	snop;
	(pc) =	sbr.ind lr, $3  }
0x3a: {  	_ = 	snop  }
0x3b: {  	_ = 	snop  }
0x3c: {  	p2 =	seq.s32 s10, $0x1;
	s10 =	sld [smem:$0x3FB6]  }
0x3d: {  	_ =	shalt  }
0x3e: {  	_ =	shalt  }
0x3f: {  	_ =	shalt  }
0x40: {  	_ =	shalt  }
0x41: {  	_ =	shalt  }
0x42: {  	_ =	shalt  }
0x43: {  	_ =	shalt  }
0x44: {  	_ =	shalt  }
0x45: {  	_ =	shalt  }
0x46: {  	_ =	shalt  }
0x47: {  	_ =	shalt  }
0x48: {  	_ =	shalt  }
0x49: {  	_ =	shalt  }
0x4a: {  	_ =	shalt  }
0x4b: {  	_ =	shalt  }
0x4c: {  	_ =	shalt  }
0x4d: {  	_ =	shalt  }
0x4e: {  	_ =	shalt  }
0x4f: {  	_ =	shalt  }
0x50: {  	_ =	shalt  }
0x51: {  	_ =	shalt  }
0x52: {  	_ =	shalt  }
0x53: {  	_ =	shalt  }
0x54: {  	_ =	shalt  }
0x55: {  	_ =	shalt  }
0x56: {  	_ =	shalt  }
0x57: {  	_ =	shalt  }
0x58: {  	_ =	shalt  }
0x59: {  	_ =	shalt  }
0x5a: {  	_ =	shalt  }
0x5b: {  	_ =	shalt  }
0x5c: {  	_ =	shalt  }
0x5d: {  	_ =	shalt  }
0x5e: {  	_ =	shalt  }
0x5f: {  	_ =	shalt  }
0x60: {  	_ =	shalt  }
0x61: {  	_ =	shalt  }
0x62: {  	_ =	shalt  }
0x63: {  	_ =	shalt  }
0x64: {  	_ =	shalt  }
0x65: {  	_ =	shalt  }
0x66: {  	_ =	shalt  }
0x67: {  	_ =	shalt  }
0x68: {  	_ =	shalt  }
0x69: {  	_ =	shalt  }
0x6a: {  	_ =	shalt  }
0x6b: {  	_ =	shalt  }
0x6c: {  	_ =	shalt  }
0x6d: {  	_ =	shalt  }
0x6e: {  	_ =	shalt  }
0x6f: {  	_ =	shalt  }
0x70: {  	_ =	shalt  }
0x71: {  	_ =	shalt  }
0x72: {  	_ =	shalt  }
0x73: {  	_ =	shalt  }
0x74: {  	_ =	shalt  }
0x75: {  	_ =	shalt  }
0x76: {  	_ =	shalt  }
0x77: {  	_ =	shalt  }
0x78: {  	_ =	shalt  }
0x79: {  	_ =	shalt  }
0x7a: {  	_ =	shalt  }
0x7b: {  	_ =	shalt  }
0x7c: {  	_ =	shalt  }
0x7d: {  	_ =	shalt  }
0x7e: {  	_ =	shalt  }
0x7f: {  	_ =	shalt  }
0x80: {  	_ =	shalt  }
0x81: {  	_ =	shalt  }
0x82: {  	_ =	shalt  }
0x83: {  	_ =	shalt  }
0x84: {  	_ =	shalt  }
0x85: {  	_ =	shalt  }
0x86: {  	_ =	shalt  }
0x87: {  	_ =	shalt  }
.Lfunc_end0:
.L_simem_size_0:
called_computation_lowered:
.L_overlay_start_0:
0x88: {  	s2 =	sld [smem:$0x3FD9]  }
0x89: {  	s3 =	sld [smem:$0x3FFE];
	_ =	sdelay $0x1  }
0x8a: {  	s1 =	srdreg.scid  }
0x8b: {  	s0 =	sand.u32 $0x1, s1  }
0x8c: {  	s17 =	sshll.u32 s0, $0xA;
	s2 =	sadd.s32 s3, s2  }
0x8d: {  	s2 =	sadd.s32 s2, s17  }
0x8e: {  	[smem:$0x3FC2] =	sst s2  }
0x8f: {  	_ = 	snop  }
0x90: {  	s2 =	sld [smem:$0x3FD0];
	(tm) =	ssettm $0x1  }
0x91: {  	s18 =	sld [smem:$0x3FFB];
	_ =	sdelay $0x3  }
0x92: {  	_ =	strace s18  }
0x93: {  	s3 =	sld [smem:$0x3FFC];
	_ =	sdelay $0x3  }
0x94: {  	_ =	strace s3  }
0x95: {  	s3 =	sld [smem:$0x3FFD];
	_ =	sdelay $0x3  }
0x96: {  	_ =	strace s3  }
0x97: {  	_ =	strace $0x8FFFFFFF  }
0x98: {  	s19 =	sld [smem:$0x3FDB];
	_ =	sdelay $0x1  }
0x99: {  	s4 =	simm.s32 $_scs_section_size  }
0x9a: {  	s5 =	simm.s32 $_size__tile_overlayer_lowered;
	s6 =	simm.s32 $_tile_overlayer_lowered  }
0x9b: {  	s22 =	simm.s32 $0x1BFF;
	s21 =	sshll.u32 s6, $0x1;
	s3 =	sadd.s32 s4, s19  }
0x9c: {  	s7 =	simm.s32 $0x0;
	s20 =	sshll.u32 s5, $0x1;
	s5 =	sadd.s32 s21, s3  }
0x9d: {  	[timem:s7], [sflag:s22] =	dma.local [hbm:s5], s20  }
0x9e: {  	_ =	swait.ge [sflag:s22], s20  }
0x9f: {  	s4 =	ssub.s32 $0x0, s20;
	[sflag:s22] =	ssyncset.done $0x0  }
0xa0: {  	[sflag:s22] =	ssyncadd.s32 s4;
	_ =	sdelay $0x1  }
0xa1: {  	s23 =	simm.s32 $0x1B8B  }
0xa2: {  	_ =	swait.ge [sflag:s23], $0x1  }
0xa3: {  	[sflag:s23] =	ssyncset.done $0x0  }
0xa4: {  	s25 =	simm.s32 $0x1B8E;
	s24 =	sld [smem:$0x3FFE];
	[sflag:s23] =	ssyncadd.s32 $0xFFFFFFFF  }
0xa5: {  	s26 =	simm.s32 $execute0_lowered;
	[smem:$0x3FD2] =	sst s25  }
0xa6: {  	s5 =	sshll.u32 s26, $0x1;
	_ =	strace $0x80000046;
	[dreg:$0x1] =	wrdreg $0xFFFFFFFF  }
0xa7: {  	s28 =	simm.s32 $_size_execute0_lowered;
	s3 =	sadd.s32 s3, s5;
	[dreg:$0x0] =	wrdreg $0x0  }
0xa8: {  	s5 =	sshll.u32 s28, $0x1;
	[dreg:$0x2] =	wrdreg s3  }
0xa9: {  	[dreg:$0x3] =	wrdreg s5  }
0xaa: {  	[dreg:$0x4] =	wrdreg $0xC0  }
0xab: {  	_ =	task [dreg:s7], $0x5FFFF  }
0xac: {  	[dreg:$0x1] =	wrdreg $0xFFFFFFFF  }
0xad: {  	[dreg:$0x0] =	wrdreg $0x60  }
0xae: {  	[dreg:$0x2] =	wrdreg s2  }
0xaf: {  	[dreg:$0x3] =	wrdreg s24  }
0xb0: {  	[dreg:$0x4] =	wrdreg $0x9  }
0xb1: {  	_ =	task.clear_ibuf [dreg:s7], $0x5FFFF;
	_ =	strace $0x90000046  }
0xb2: {  	s29 =	simm.s32 $0x9;
	_ =	strace $0x80000048  }
0xb3: {  	_ =	swait.ge [sflag:s29], $0x1  }
0xb4: {  	[sflag:s29] =	ssyncadd.s32 $0xFFFFFFFF  }
0xb5: {  	_ =	strace $0x90000048  }
0xb6: {  	_ =	sfence  }
0xb7: {  	s30 =	sld [smem:$0x0];
	_ =	sdelay $0x2  }
0xb8: {  	s31 =	sshll.u32 s1, $0xD;
	s1 =	sshrl.u32 s1, $0x2  }
0xb9: {  	s3 =	sand.u32 $0x4000, s31;
	s1 =	sadd.s32 s1, s30  }
0xba: {  	s0 =	sor.u32 s3, s0;
	s1 =	sshll.u32 s1, $0x11  }
0xbb: {  	s0 =	sor.u32 s1, s0  }
0xbc: {  	s0 =	sadd.s32 $0x8F2B, s0  }
0xbd: {  	[sflag:s0] =	ssyncadd.remote.s32 $0x1  }
0xbe: {  	_ =	sfence.sel $0xFFFF  }
0xbf: {  	[dreg:$0x0] =	wrdreg $0xFFFFFFFF;
	(pc) =	sbr.abs _section_cstart, $3  }
0xc0: {  	[dreg:$0x1] =	wrdreg $0xFFFFFFFF  }
0xc1: {  	_ =	task.clear_ibuf [dreg:s7], $0x2FFFF;
	_ =	strace $0x9FFFFFFF  }
0xc2: {  	(tm) =	ssettm $0x7FFFFFFF  }
0xc3: {  	_ =	shalt  }
tec
execute0_lowered:
.L_overlay_start_1:
0x0: {  	(tag) =	ssettag $0x1  }
0x1: {  	s0 =	rddreg [dreg:$0x1];
	s2 =	simm.s32 $0x0;
	s3 =	srdreg.scid  }
0x2: {  	s1 =	stileid.u32;
	s28 =	simm.s32 $0x200;
	s29 =	simm.s32 $0x5200  }
0x3: {  	s30 =	simm.s32 $0xA200;
	[smem:$0x7FF] =	sst s2;
	s3 =	sand.u32 $0x1, s3  }
0x4: {  	s4 =	sadd.s32 $0x15A00, s0;
	s5 =	sadd.s32 $0x3CC00, s0;
	s6 =	sadd.s32 $0xBC00, s0  }
0x5: {  	s16 =	sadd.s32 $0x1E00, s0;
	s11 =	sadd.s32 $0x545E00, s0;
	s15 =	smul.u32 $0x2710, s1  }
0x6: {  	s9 =	sadd.s32 $0x63E00, s0;
	s0 =	sadd.s32 $0xA27E00, s0;
	s25 =	smul.u32 $0x27100, s1  }
0x7: {  	s31 =	simm.s32 $0x3;
	_ =	strace $0x80000047;
	s18 =	smul.u32 $0x27100, s3  }
0x8: {  	s7 =	sshll.u32 s3, $0x4;
	s12 =	ssub.s32 $0x2, s3;
	s3 =	smul.u32 $0x271000, s3  }
0x9: {  	[dreg:$0x3] =	wrdreg s16;
	s8 =	sor.u32 s1, s7;
	s13 =	sshrl.u32 s12, $0x1  }
0xa: {  	s10 =	smul.u32 $0x2710, s8;
	s12 =	ssub.s32 s12, s13;
	s22 =	sadd.s32 s15, s18  }
0xb: {  	s8 =	smul.u32 $0x138800, s8;
	s24 =	sadd.s32 $0xF0, s22;
	s12 =	smax.u32 s12, $0x1  }
0xc: {  	s26 =	sadd.s32 $0xA0, s22;
	s22 =	simm.s32 $0x100;
	[dreg:$0xb] =	wrdreg s12  }
0xd: {  	s10 =	sshrl.u32 s10, $0x3;
	s8 =	sshrl.u32 s8, $0x3;
	[dreg:$0xe] =	wrdreg s26  }
0xe: {  	s26 =	simm.s32 $0x50;
	s17 =	sadd.s32 s6, s10;
	s14 =	sadd.s32 $0xA, s10  }
0xf: {  	s10 =	sadd.s32 s16, s10;
	s8 =	sadd.s32 $0x26C00, s8;
	[dreg:$0x4] =	wrdreg s17  }
0x10: {  	[dreg:$0x5] =	wrdreg s10;
	s19 =	sadd.s32 s6, s14;
	s20 =	sadd.s32 s16, s14  }
0x11: {  	s21 =	sadd.s32 s9, s8;
	s23 =	sadd.s32 s11, s8;
	[dreg:$0x6] =	wrdreg s19  }
0x12: {  	s8 =	sadd.s32 s0, s8;
	s9 =	sadd.s32 s3, s9;
	[dreg:$0x7] =	wrdreg s20  }
0x13: {  	s11 =	sadd.s32 s3, s11;
	s0 =	sadd.s32 s3, s0;
	[dreg:$0x8] =	wrdreg s21  }
0x14: {  	s3 =	simm.s32 $0x2A00;
	s10 =	simm.s32 $0x4;
	[dreg:$0x9] =	wrdreg s23  }
0x15: {  	[dreg:$0xa] =	wrdreg s8;
	s8 =	sshrl.u32 s24, $0x3;
	s18 =	sadd.s32 s25, s9  }
.Ltmp0:
0x16: {  	s19 =	sadd.s32 s25, s11;
	s20 =	sadd.s32 s25, s0;
	(pc) =	sbr.rel .LBB2_1-.Ltmp0, $4  }
0x17: {  	s23 =	simm.s32 $0x80;
	s24 =	simm.s32 $0x180;
	s25 =	simm.s32 $0x1  }
0x18: {  	s0 =	simm.s32 $0x2;
	s9 =	simm.s32 $0xCA00;
	s7 =	sadd.s32 s8, s16  }
0x19: {  	[dreg:$0xc] =	wrdreg s7;
	s7 =	smov.u32 s6;
	s6 =	sadd.s32 s8, s6  }
0x1a: {  	s11 =	simm.s32 $0x0;
	s8 =	simm.s32 $0x7A00;
	[dreg:$0xd] =	wrdreg s6  }
.LBB2_4:
0x1b: {  	_ =	swait.ge [sflag:s25], $0x50  }
0x1c: {  	[sflag:s25] =	ssyncset.done $0x0  }
0x1d: {  	[sflag:s25] =	ssyncadd.s32 $0xFFFFFFB0  }
0x1e: {  	_ =	swait.ge [sflag:s25], $0x50  }
0x1f: {  	[sflag:s25] =	ssyncset.done $0x0  }
0x20: {  	s6 =	simm.s32 $0x5;
	[sflag:s25] =	ssyncadd.s32 $0xFFFFFFB0  }
0x21: {  	_ =	swait.ge [sflag:s6], $0x2800  }
0x22: {  	[sflag:s6] =	ssyncset.done $0x0  }
0x23: {  	[sflag:s6] =	ssyncadd.s32 $0xFFFFD800  }
0x24: {  	_ =	swait.ge [sflag:s6], $0x2800  }
0x25: {  	[sflag:s6] =	ssyncset.done $0x0  }
0x26: {  	[sflag:s6] =	ssyncadd.s32 $0xFFFFD800  }
0x27: {  	_ =	swait.ge [sflag:s6], $0x2800  }
0x28: {  	[sflag:s6] =	ssyncset.done $0x0  }
0x29: {  	[sflag:s6] =	ssyncadd.s32 $0xFFFFD800  }
0x2a: {  	s1 =	rddreg [dreg:$0x0]  }
0x2b: {  	[tilespmem:s28], [sflag:$0x3] =	stream.indirect.gather [hbm4b:s1+s26], $0x80, s2, s26, $0xb8;
	[tilespmem:$0xF200] =	vst v63  }
0x2c: {  	_ = 	snop  }
0x2d: {  	[tilespmem:s29], [sflag:$0x3] =	stream.indirect.gather [hbm4b:s4+s26], $0x80, s22, s26, $0xb8;
	[tilespmem:$0xF200] =	vst v63  }
0x2e: {  	_ = 	snop  }
0x2f: {  	[tilespmem:s30], [sflag:$0x3] =	stream.indirect.gather [hbm4b:s5+s26], $0x80, s22, s26, $0xb8;
	[tilespmem:$0xF200] =	vst v63  }
0x30: {  	_ =	swait.ge [sflag:s31], $0x2800  }
0x31: {  	[sflag:s31] =	ssyncset.done $0x0  }
0x32: {  	s14 =	rddreg [dreg:$0x8];
	[sflag:s31] =	ssyncadd.s32 $0xFFFFD800  }
0x33: {  	[hbm4b:s14+s2] =	stream.linear.scatter [tilespmem:s28], [sflag:$0x5], $0x2800, $0x38;
	[tilespmem:$0xF200] =	vst v63  }
0x34: {  	_ =	swait.ge [sflag:s31], $0x2800  }
0x35: {  	[sflag:s31] =	ssyncset.done $0x0  }
0x36: {  	s15 =	rddreg [dreg:$0x9];
	[sflag:s31] =	ssyncadd.s32 $0xFFFFD800  }
0x37: {  	[hbm4b:s15+s2] =	stream.linear.scatter [tilespmem:s29], [sflag:$0x5], $0x2800, $0x38;
	[tilespmem:$0xF200] =	vst v63  }
0x38: {  	_ =	swait.ge [sflag:s31], $0x2800  }
0x39: {  	[sflag:s31] =	ssyncset.done $0x0  }
0x3a: {  	s16 =	rddreg [dreg:$0xa];
	[sflag:s31] =	ssyncadd.s32 $0xFFFFD800  }
0x3b: {  	[hbm4b:s16+s2] =	stream.linear.scatter [tilespmem:s30], [sflag:$0x5], $0x2800, $0x38;
	[tilespmem:$0xF200] =	vst v63  }
0x3c: {  	_ =	swait.ge [sflag:s6], $0x2800  }
0x3d: {  	[sflag:s6] =	ssyncset.done $0x0  }
0x3e: {  	[sflag:s6] =	ssyncadd.s32 $0xFFFFD800  }
0x3f: {  	_ =	swait.ge [sflag:s6], $0x2800  }
0x40: {  	[sflag:s6] =	ssyncset.done $0x0  }
0x41: {  	[sflag:s6] =	ssyncadd.s32 $0xFFFFD800  }
0x42: {  	_ =	swait.ge [sflag:s6], $0x2800  }
0x43: {  	[sflag:s6] =	ssyncset.done $0x0  }
0x44: {  	s17 =	simm.s32 $0x6;
	[sflag:s6] =	ssyncadd.s32 $0xFFFFD800  }
0x45: {  	_ =	swait.ge [sflag:s17], $0x2800  }
0x46: {  	[sflag:s17] =	ssyncset.done $0x0  }
0x47: {  	[sflag:s17] =	ssyncadd.s32 $0xFFFFD800  }
0x48: {  	_ =	swait.ge [sflag:s17], $0x2800  }
0x49: {  	[sflag:s17] =	ssyncset.done $0x0  }
0x4a: {  	[sflag:s17] =	ssyncadd.s32 $0xFFFFD800  }
0x4b: {  	_ =	swait.ge [sflag:s17], $0x2800  }
0x4c: {  	s11 =	rddreg [dreg:$0xf]  }
0x4d: {  	s21 =	rddreg [dreg:$0xb];
	s11 =	sadd.s32 $0x1, s11  }
0x4e: {  	p0 =	sne.s32 s11, s21  }
.Ltmp1:
0x4f: {  	_ = 	snop;
	(pc) =	sbr.rel @!p0 .LBB2_5-.Ltmp1, $3  }
0x50: {  	_ =	sdelay $0x1  }
0x51: {  	[sflag:s17] =	ssyncset.done $0x0  }
0x52: {  	[sflag:s17] =	ssyncadd.s32 $0xFFFFD800  }
.LBB2_1:
0x53: {  	[dreg:$0xf] =	wrdreg s11  }
0x54: {  	s1 =	rddreg [dreg:$0x4]  }
0x55: {  	s16 =	rddreg [dreg:$0x5]  }
0x56: {  	s17 =	rddreg [dreg:$0x6]  }
0x57: {  	[tilespmem:s2], [sflag:$0x1] =	stream.linear.gather [hbm4b:s1+s2], $0x50, $0x38;
	[tilespmem:$0xF200] =	vst v63  }
0x58: {  	s21 =	rddreg [dreg:$0x7]  }
0x59: {  	[tilespmem:s22], [sflag:$0x1] =	stream.linear.gather [hbm4b:s16+s2], $0x50, $0x38;
	[tilespmem:$0xF200] =	vst v63  }
0x5a: {  	s16 =	rddreg [dreg:$0xc]  }
0x5b: {  	[tilespmem:s23], [sflag:$0x2] =	stream.linear.gather [hbm4b:s17+s2], $0x50, $0x38;
	[tilespmem:$0xF200] =	vst v63  }
0x5c: {  	s17 =	rddreg [dreg:$0xd]  }
0x5d: {  	[tilespmem:s24], [sflag:$0x2] =	stream.linear.gather [hbm4b:s21+s2], $0x50, $0x38;
	[tilespmem:$0xF200] =	vst v63  }
0x5e: {  	s15 =	simm.s32 $0x0;
	s21 =	rddreg [dreg:$0xe]  }
.LBB2_2:
0x5f: {  	_ =	swait.ge [sflag:s25], $0x50  }
0x60: {  	[sflag:s25] =	ssyncset.done $0x0  }
0x61: {  	[sflag:s25] =	ssyncadd.s32 $0xFFFFFFB0  }
0x62: {  	_ =	swait.ge [sflag:s25], $0x50  }
0x63: {  	p0 =	seq.s32 s15, $0x0;
	[sflag:s25] =	ssyncset.done $0x0  }
0x64: {  	s14 =	simm.s32 @!p0 $0x5;
	[sflag:s25] =	ssyncadd.s32 $0xFFFFFFB0  }
0x65: {  	_ =	swait.ge @!p0 [sflag:s14], $0x2800  }
0x66: {  	[sflag:s14] =	ssyncset.done @!p0 $0x0  }
0x67: {  	[sflag:s14] =	ssyncadd.s32 @!p0 $0xFFFFD800  }
0x68: {  	_ =	swait.ge @!p0 [sflag:s14], $0x2800  }
0x69: {  	[sflag:s14] =	ssyncset.done @!p0 $0x0  }
0x6a: {  	[sflag:s14] =	ssyncadd.s32 @!p0 $0xFFFFD800  }
0x6b: {  	_ =	swait.ge @!p0 [sflag:s14], $0x2800  }
0x6c: {  	[sflag:s14] =	ssyncset.done @!p0 $0x0  }
0x6d: {  	[sflag:s14] =	ssyncadd.s32 @!p0 $0xFFFFD800  }
0x6e: {  	s6 =	rddreg [dreg:$0x0]  }
0x6f: {  	[tilespmem:s28], [sflag:$0x3] =	stream.indirect.gather [hbm4b:s6+s26], $0x80, s2, s26, $0xb8;
	[tilespmem:$0xF200] =	vst v63  }
0x70: {  	_ = 	snop  }
0x71: {  	[tilespmem:s29], [sflag:$0x3] =	stream.indirect.gather [hbm4b:s4+s26], $0x80, s22, s26, $0xb8;
	[tilespmem:$0xF200] =	vst v63  }
0x72: {  	_ = 	snop  }
0x73: {  	[tilespmem:s30], [sflag:$0x3] =	stream.indirect.gather [hbm4b:s5+s26], $0x80, s22, s26, $0xb8;
	[tilespmem:$0xF200] =	vst v63  }
0x74: {  	_ =	swait.ge [sflag:s31], $0x2800  }
0x75: {  	[sflag:s31] =	ssyncset.done $0x0  }
0x76: {  	s14 =	sadd.s32 s15, s18;
	[sflag:s31] =	ssyncadd.s32 $0xFFFFD800  }
0x77: {  	[hbm4b:s14+s2] =	stream.linear.scatter [tilespmem:s28], [sflag:$0x5], $0x2800, $0x38;
	[tilespmem:$0xF200] =	vst v63  }
0x78: {  	_ =	swait.ge [sflag:s31], $0x2800  }
0x79: {  	[sflag:s31] =	ssyncset.done $0x0  }
0x7a: {  	s12 =	sadd.s32 s15, s19;
	[sflag:s31] =	ssyncadd.s32 $0xFFFFD800  }
0x7b: {  	[hbm4b:s12+s2] =	stream.linear.scatter [tilespmem:s29], [sflag:$0x5], $0x2800, $0x38;
	[tilespmem:$0xF200] =	vst v63  }
0x7c: {  	_ =	swait.ge [sflag:s31], $0x2800  }
0x7d: {  	[sflag:s31] =	ssyncset.done $0x0  }
0x7e: {  	s13 =	sadd.s32 s15, s20;
	s11 =	sshrl.u32 s21, $0x3;
	[sflag:s31] =	ssyncadd.s32 $0xFFFFD800  }
0x7f: {  	[hbm4b:s13+s2] =	stream.linear.scatter [tilespmem:s30], [sflag:$0x5], $0x2800, $0x38;
	[tilespmem:$0xF200] =	vst v63  }
0x80: {  	s1 =	sadd.s32 s7, s11  }
0x81: {  	[tilespmem:s2], [sflag:$0x1] =	stream.linear.gather [hbm4b:s1+s2], $0x50, $0x38;
	[tilespmem:$0xF200] =	vst v63  }
0x82: {  	s1 =	rddreg [dreg:$0x3]  }
0x83: {  	s1 =	sadd.s32 s1, s11  }
0x84: {  	[tilespmem:s22], [sflag:$0x1] =	stream.linear.gather [hbm4b:s1+s2], $0x50, $0x38;
	[tilespmem:$0xF200] =	vst v63  }
0x85: {  	_ =	swait.ge [sflag:s0], $0x50  }
0x86: {  	[sflag:s0] =	ssyncset.done $0x0  }
0x87: {  	[sflag:s0] =	ssyncadd.s32 $0xFFFFFFB0  }
0x88: {  	_ =	swait.ge [sflag:s0], $0x50  }
0x89: {  	[sflag:s0] =	ssyncset.done $0x0  }
0x8a: {  	s1 =	simm.s32 @!p0 $0x6;
	[sflag:s0] =	ssyncadd.s32 $0xFFFFFFB0  }
0x8b: {  	_ =	swait.ge @!p0 [sflag:s1], $0x2800  }
0x8c: {  	[sflag:s1] =	ssyncset.done @!p0 $0x0  }
0x8d: {  	[sflag:s1] =	ssyncadd.s32 @!p0 $0xFFFFD800  }
0x8e: {  	_ =	swait.ge @!p0 [sflag:s1], $0x2800  }
0x8f: {  	[sflag:s1] =	ssyncset.done @!p0 $0x0  }
0x90: {  	[sflag:s1] =	ssyncadd.s32 @!p0 $0xFFFFD800  }
0x91: {  	_ =	swait.ge @!p0 [sflag:s1], $0x2800  }
0x92: {  	[sflag:s1] =	ssyncset.done @!p0 $0x0  }
0x93: {  	[sflag:s1] =	ssyncadd.s32 @!p0 $0xFFFFD800  }
0x94: {  	[tilespmem:s3], [sflag:$0x4] =	stream.indirect.gather [hbm4b:s6+s26], $0x80, s23, s26, $0xb8;
	[tilespmem:$0xF200] =	vst v63  }
0x95: {  	_ = 	snop  }
0x96: {  	[tilespmem:s8], [sflag:$0x4] =	stream.indirect.gather [hbm4b:s4+s26], $0x80, s24, s26, $0xb8;
	[tilespmem:$0xF200] =	vst v63  }
0x97: {  	_ = 	snop  }
0x98: {  	[tilespmem:s9], [sflag:$0x4] =	stream.indirect.gather [hbm4b:s5+s26], $0x80, s24, s26, $0xb8;
	[tilespmem:$0xF200] =	vst v63  }
0x99: {  	_ =	swait.ge [sflag:s10], $0x2800  }
0x9a: {  	[sflag:s10] =	ssyncset.done $0x0  }
0x9b: {  	s11 =	sadd.s32 $0x500, s14;
	[sflag:s10] =	ssyncadd.s32 $0xFFFFD800  }
0x9c: {  	[hbm4b:s11+s2] =	stream.linear.scatter [tilespmem:s3], [sflag:$0x6], $0x2800, $0x38;
	[tilespmem:$0xF200] =	vst v63  }
0x9d: {  	_ =	swait.ge [sflag:s10], $0x2800  }
0x9e: {  	[sflag:s10] =	ssyncset.done $0x0  }
0x9f: {  	s12 =	sadd.s32 $0x500, s12;
	p0 =	seq.s32 s15, $0x26200;
	[sflag:s10] =	ssyncadd.s32 $0xFFFFD800  }
0xa0: {  	[hbm4b:s12+s2] =	stream.linear.scatter [tilespmem:s8], [sflag:$0x6], $0x2800, $0x38;
	[tilespmem:$0xF200] =	vst v63  }
.Ltmp2:
0xa1: {  	_ = 	snop;
	(pc) =	sbr.rel @p0 .LBB2_4-.Ltmp2, $4  }
0xa2: {  	_ =	swait.ge [sflag:s10], $0x2800  }
0xa3: {  	[sflag:s10] =	ssyncset.done $0x0  }
0xa4: {  	s14 =	sadd.s32 $0x500, s13;
	[sflag:s10] =	ssyncadd.s32 $0xFFFFD800  }
0xa5: {  	[hbm4b:s14+s2] =	stream.linear.scatter [tilespmem:s9], [sflag:$0x6], $0x2800, $0x38;
	[tilespmem:$0xF200] =	vst v63  }
.Ltmp3:
0xa6: {  	(pc) =	sbr.rel .LBB2_2-.Ltmp3, $4  }
0xa7: {  	[tilespmem:s23], [sflag:$0x2] =	stream.linear.gather [hbm4b:s17+s2], $0x50, $0x38;
	[tilespmem:$0xF200] =	vst v63  }
0xa8: {  	s17 =	sadd.s32 $0x14, s17  }
0xa9: {  	[tilespmem:s24], [sflag:$0x2] =	stream.linear.gather [hbm4b:s16+s2], $0x50, $0x38;
	[tilespmem:$0xF200] =	vst v63  }
0xaa: {  	s15 =	sadd.s32 $0xA00, s15;
	s21 =	sadd.s32 $0xA0, s21;
	s16 =	sadd.s32 $0x14, s16  }
.LBB2_5:
0xab: {  	_ =	sfence.sel $0x180000  }
0xac: {  	[bflag:$0x0] =	sbarrier.arrive $0xFFFF  }
0xad: {  	_ =	strace $0x90000047  }
0xae: {  	s0 =	stileid.u32;
	[bflag:$0x2] =	sbarrier.arrive $0xFFFF  }
0xaf: {  	p0 =	sne.s32 s0, $0x0;
	s0 =	rddreg [dreg:$0x2]  }
0xb0: {  	s0 =	sadd.s32 @!p0 $0x100000, s0  }
0xb1: {  	[sflag:s0] =	ssyncadd.tile.s32 @!p0 $0x1;
	_ =	shalt  }
.Lfunc_end2:
_tile_overlayer_lowered:
.L_overlay_start_2:
0xb2: {  	(tag) =	ssettag $0x2  }
0xb3: {  	s0 =	rddreg [dreg:$0x0];
	s2 =	stileid.u32  }
0xb4: {  	s1 =	rddreg [dreg:$0x1];
	p0 =	sne.s32 s2, $0x0  }
0xb5: {  	s3 =	rddreg [dreg:$0x2];
	[bflag:$0x3] =	sbarrier.arrive $0xFFFF;
	s2 =	simm.s32 @!p0 $0x1C07  }
0xb6: {  	[timem:s3], [sflag:s2] =	dma.local @!p0 [hbm:s0], s1  }
0xb7: {  	s0 =	simm.s32 @!p0 $0x7  }
0xb8: {  	_ =	swait.ge @!p0 [sflag:s0], s1  }
0xb9: {  	s1 =	ssub.s32 @!p0 $0x0, s1;
	[sflag:s0] =	ssyncset.done @!p0 $0x0  }
0xba: {  	[sflag:s0] =	ssyncadd.s32 @!p0 s1  }
0xbb: {  	[bflag:$0x3] =	sbarrier.arrive $0xFFFF  }
0xbc: {  	_ =	shalt  }

</sc_bundles>
